<compile_context>
chip_gen: v7x
topology: tpu7x:2x2x1
jax: 0.10.2.dev20260603
libtpu: 0.0.44.dev20260713+nightly
codegen_flags: <defaults>
</compile_context>

<pallas_src>
import functools
import numpy as np
import jax
import jax.numpy as jnp
from jax import lax
from jax.experimental import pallas as pl
from jax.experimental.pallas import tpu as pltpu
from jax.experimental.pallas import tpu_sc as plsc

_PC_RANGE = np.array([0.0, -39.68, -3.0, 69.12, 39.68, 1.0], dtype=np.float64)
_PILLAR = np.array([0.16, 0.16, 4.0], dtype=np.float64)
_GRID = np.round((_PC_RANGE[3:6] - _PC_RANGE[0:3]) / _PILLAR).astype(np.int64)
NX, NY, NZ = int(_GRID[0]), int(_GRID[1]), int(_GRID[2])
PX, PY, PZ = float(_PILLAR[0]), float(_PILLAR[1]), float(_PILLAR[2])
X_OFF = float(_PILLAR[0] / 2 + _PC_RANGE[0])
Y_OFF = float(_PILLAR[1] / 2 + _PC_RANGE[1])
Z_OFF = float(_PILLAR[2] / 2 + _PC_RANGE[2])

_LANES = 128
_GCHUNK = 128


def _sc_gather(pointsp, idx2d, n_rows):
    mesh = plsc.VectorSubcoreMesh(core_axis_name="c", subcore_axis_name="s")
    nw = 32
    rows_per_w = n_rows // nw

    @functools.partial(
        pl.kernel, mesh=mesh,
        out_type=jax.ShapeDtypeStruct((n_rows * _LANES, 16), jnp.float32),
        compiler_params=pltpu.CompilerParams(use_tc_tiling_on_sc=False, needs_layout_passes=False),
        scratch_types=[
            pltpu.VMEM((rows_per_w, _LANES), jnp.int32),
            pltpu.VMEM((_LANES, 16), jnp.float32),
            pltpu.SemaphoreType.DMA,
        ],
    )
    def k(table_hbm, idx_hbm, out_hbm, idx_v, rows_v, sem):
        wid = lax.axis_index("s") * 2 + lax.axis_index("c")
        base = wid * rows_per_w
        pltpu.sync_copy(idx_hbm.at[wid], idx_v)

        def body(i, _):
            pltpu.async_copy(table_hbm.at[idx_v.at[i]], rows_v, sem).wait()
            pltpu.sync_copy(rows_v, out_hbm.at[pl.ds((base + i) * _LANES, _LANES)])
            return 0

        lax.fori_loop(0, rows_per_w, body, 0)

    return k(pointsp, idx2d)


def _tc_pillar_body(raw_ref, npts_ref, cxyz_ref, wp_ref,
                    hmax_ref, hmin_ref, stats_ref):
    tn = npts_ref.shape[0]
    maxp = raw_ref.shape[0] // tn
    raw = raw_ref[...].reshape(tn, maxp, 16)
    npts = npts_ref[...].reshape(tn, 1, 1)
    slot = lax.broadcasted_iota(jnp.int32, (tn, maxp, 1), 1).astype(jnp.float32)
    mask = (slot < npts).astype(jnp.float32)
    raw = raw * mask
    axyz = raw[:, :, 0:3]
    feats = raw[:, :, 3:11]
    mean_xyz = axyz.sum(axis=1, keepdims=True) / npts
    ctr = cxyz_ref[...].reshape(tn, 1, 3)
    x = jnp.concatenate(
        [axyz, feats, axyz - mean_xyz, axyz - ctr,
         jnp.zeros((tn, maxp, 15), jnp.float32)], axis=-1)
    x = x * mask
    h = jnp.dot(x.reshape(tn * maxp, 32), wp_ref[...],
                preferred_element_type=jnp.float32)
    h3 = h.reshape(tn, maxp, 64)
    hmax_ref[...] = h3.max(axis=1)
    hmin_ref[...] = h3.min(axis=1)

    @pl.when(pl.program_id(0) == 0)
    def _():
        stats_ref[...] = jnp.zeros_like(stats_ref)

    s1 = h.sum(axis=0).reshape(1, 64)
    s2 = (h * h).sum(axis=0).reshape(1, 64)
    stats_ref[...] += jnp.concatenate([s1, s2], axis=0)


def _tc_pillar(raw, npts_f, cxyz, wp, n_pillars, maxp):
    tn = 256
    grid = (n_pillars // tn,)
    return pl.pallas_call(
        _tc_pillar_body,
        grid=grid,
        in_specs=[
            pl.BlockSpec((tn * maxp, 16), lambda i: (i, 0)),
            pl.BlockSpec((tn, 1), lambda i: (i, 0)),
            pl.BlockSpec((tn, 3), lambda i: (i, 0)),
            pl.BlockSpec((32, 64), lambda i: (0, 0)),
        ],
        out_specs=[
            pl.BlockSpec((tn, 64), lambda i: (i, 0)),
            pl.BlockSpec((tn, 64), lambda i: (i, 0)),
            pl.BlockSpec((2, 64), lambda i: (0, 0)),
        ],
        out_shape=[
            jax.ShapeDtypeStruct((n_pillars, 64), jnp.float32),
            jax.ShapeDtypeStruct((n_pillars, 64), jnp.float32),
            jax.ShapeDtypeStruct((2, 64), jnp.float32),
        ],
    )(raw, npts_f, cxyz, wp)


def _tc_norm_body(hmax_ref, hmin_ref, stats_ref, gam_ref, bet_ref, co_ref,
                  vals_ref, fidx_ref, *, n_total):
    mean = stats_ref[0:1, :] / n_total
    ex2 = stats_ref[1:2, :] / n_total
    var = ex2 - mean * mean
    a = gam_ref[...] * lax.rsqrt(var + 1e-3)
    b = bet_ref[...] - mean * a
    picked = jnp.where(a >= 0.0, hmax_ref[...], hmin_ref[...])
    vals_ref[...] = jnp.maximum(picked * a + b, 0.0)
    co = co_ref[...]
    fidx_ref[...] = (co[:, 0:1] * (NZ * NY * NX) + co[:, 1:2]
                     + co[:, 2:3] * NX + co[:, 3:4])


def _tc_norm(hmax, hmin, stats, gamma2d, beta2d, coords, n_pillars, n_total):
    tn = 2000
    grid = (n_pillars // tn,)
    return pl.pallas_call(
        functools.partial(_tc_norm_body, n_total=float(n_total)),
        grid=grid,
        in_specs=[
            pl.BlockSpec((tn, 64), lambda i: (i, 0)),
            pl.BlockSpec((tn, 64), lambda i: (i, 0)),
            pl.BlockSpec((2, 64), lambda i: (0, 0)),
            pl.BlockSpec((1, 64), lambda i: (0, 0)),
            pl.BlockSpec((1, 64), lambda i: (0, 0)),
            pl.BlockSpec((tn, 4), lambda i: (i, 0)),
        ],
        out_specs=[
            pl.BlockSpec((tn, 64), lambda i: (i, 0)),
            pl.BlockSpec((tn, 1), lambda i: (i, 0)),
        ],
        out_shape=[
            jax.ShapeDtypeStruct((n_pillars, 64), jnp.float32),
            jax.ShapeDtypeStruct((n_pillars, 1), jnp.int32),
        ],
    )(hmax, hmin, stats, gamma2d, beta2d, coords)


def _sc_invmap(fidx, n_pillars, n_cells):
    mesh = plsc.VectorSubcoreMesh(core_axis_name="c", subcore_axis_name="s")
    nw = 32
    cells_w = n_cells // nw

    @functools.partial(
        pl.kernel, mesh=mesh,
        out_type=jax.ShapeDtypeStruct((n_cells,), jnp.int32),
        compiler_params=pltpu.CompilerParams(use_tc_tiling_on_sc=False, needs_layout_passes=False),
        scratch_types=[
            pltpu.VMEM((cells_w,), jnp.int32),
            pltpu.VMEM((n_pillars,), jnp.int32),
        ],
    )
    def k(fidx_hbm, inv_hbm, invbuf, fbuf):
        wid = lax.axis_index("s") * 2 + lax.axis_index("c")
        base = wid * cells_w
        pltpu.sync_copy(fidx_hbm, fbuf)
        sent = jnp.full((16,), n_pillars, jnp.int32)

        def ibody(i, _):
            invbuf[pl.ds(i * 16, 16)] = sent
            return 0

        lax.fori_loop(0, cells_w // 16, ibody, 0)
        lane = lax.broadcasted_iota(jnp.int32, (16,), 0)

        def sbody(i, _):
            cells = fbuf[pl.ds(i * 16, 16)]
            local = cells - base
            m = (local >= 0) & (local < cells_w)
            plsc.store_scatter(invbuf, [local], i * 16 + lane, mask=m)
            return 0

        lax.fori_loop(0, n_pillars // 16, sbody, 0)
        pltpu.sync_copy(invbuf, inv_hbm.at[pl.ds(base, cells_w)])

    return k(fidx)


def _sc_cell_gather(valsz, inv, n_cells):
    mesh = plsc.VectorSubcoreMesh(core_axis_name="c", subcore_axis_name="s")
    nw = 32
    cells_w = n_cells // nw
    n_it = -(-cells_w // _LANES)

    @functools.partial(
        pl.kernel, mesh=mesh,
        out_type=jax.ShapeDtypeStruct((n_cells, 64), jnp.float32),
        compiler_params=pltpu.CompilerParams(use_tc_tiling_on_sc=False, needs_layout_passes=False),
        scratch_types=[
            pltpu.VMEM((cells_w,), jnp.int32),
            pltpu.VMEM((_LANES, 64), jnp.float32),
            pltpu.SemaphoreType.DMA,
        ],
    )
    def k(vals_hbm, inv_hbm, out_hbm, idxbuf, rows_v, sem):
        wid = lax.axis_index("s") * 2 + lax.axis_index("c")
        base = wid * cells_w
        pltpu.sync_copy(inv_hbm.at[pl.ds(base, cells_w)], idxbuf)

        def body(i, _):
            off = jnp.minimum(i * _LANES, cells_w - _LANES)
            pltpu.async_copy(
                vals_hbm.at[idxbuf.at[pl.ds(off, _LANES)]], rows_v, sem).wait()
            pltpu.sync_copy(rows_v, out_hbm.at[pl.ds(base + off, _LANES)])
            return 0

        lax.fori_loop(0, n_it, body, 0)

    return k(valsz, inv)


def _tc_transpose_body(in_ref, out_ref):
    out_ref[...] = jnp.swapaxes(in_ref[...], 1, 2)


def _tc_transpose(grid3, bs, n_cells_b):
    blk = 3456
    return pl.pallas_call(
        _tc_transpose_body,
        grid=(bs, n_cells_b // blk),
        in_specs=[pl.BlockSpec((1, blk, 64), lambda b, i: (b, i, 0))],
        out_specs=pl.BlockSpec((1, 64, blk), lambda b, i: (b, 0, i)),
        out_shape=jax.ShapeDtypeStruct((bs, 64, n_cells_b), jnp.float32),
    )(grid3)


def kernel(points, W, gamma, beta, gather_idx, num_points, coords):
    n_pts = points.shape[0]
    n_pillars, maxp = gather_idx.shape
    c_out = W.shape[0]
    n_cells_b = NZ * NY * NX
    n_cells = 4 * n_cells_b
    n_total = n_pillars * maxp

    pointsp = jnp.zeros((n_pts, 16), jnp.float32).at[:, :11].set(points)
    idx2d = gather_idx.reshape(n_pillars * maxp // _LANES, _LANES)
    wp = jnp.zeros((32, c_out), jnp.float32).at[:17, :].set(W.T)
    npts_f = num_points.astype(jnp.float32).reshape(n_pillars, 1)
    cxyz = jnp.concatenate(
        [coords[:, 3:4].astype(jnp.float32) * PX + X_OFF,
         coords[:, 2:3].astype(jnp.float32) * PY + Y_OFF,
         coords[:, 1:2].astype(jnp.float32) * PZ + Z_OFF], axis=1)

    raw = _sc_gather(pointsp, idx2d.reshape(32, -1, _LANES),
                     n_pillars * maxp // _LANES)
    hmax, hmin, stats = _tc_pillar(raw, npts_f, cxyz, wp, n_pillars, maxp)
    vals, fidx = _tc_norm(hmax, hmin, stats, gamma.reshape(1, c_out),
                          beta.reshape(1, c_out), coords, n_pillars, n_total)
    valsz = jnp.concatenate(
        [vals, jnp.zeros((8, c_out), jnp.float32)], axis=0)
    inv = _sc_invmap(fidx.reshape(n_pillars), n_pillars, n_cells)
    grid2 = _sc_cell_gather(valsz, inv, n_cells)
    out3 = _tc_transpose(grid2.reshape(4, n_cells_b, c_out), 4, n_cells_b)
    return out3.reshape(4, c_out * NZ, NY, NX)

# --- scband reference (transcript-rebuilt; emitter-appended) ---
"""Pipeline reference for scband-pillar-feature-extractor-5428838662336 (READ-ONLY COPY).

The authoritative reference and input builder live on the scoring server;
editing this copy changes nothing except your own understanding.
"""

import jax, jax.numpy as jnp
import numpy as np

BATCH = 4
NPTS = 100000
IN_CH = 8
C_OUT = 64
MAXP = 32
MAXV = 16000
PC_RANGE = np.array([0.0, -39.68, -3.0, 69.12, 39.68, 1.0], dtype=np.float64)
PILLAR = np.array([0.16, 0.16, 4.0], dtype=np.float64)
GRID = np.round((PC_RANGE[3:6] - PC_RANGE[0:3]) / PILLAR).astype(np.int64)
NX, NY, NZ = int(GRID[0]), int(GRID[1]), int(GRID[2])
PX, PY, PZ = float(PILLAR[0]), float(PILLAR[1]), float(PILLAR[2])
X_OFF = float(PILLAR[0] / 2 + PC_RANGE[0])
Y_OFF = float(PILLAR[1] / 2 + PC_RANGE[1])
Z_OFF = float(PILLAR[2] / 2 + PC_RANGE[2])


def _voxelize(xyz, base):
    ix = np.floor((xyz[:, 0] - PC_RANGE[0]) / PILLAR[0]).astype(np.int64)
    iy = np.floor((xyz[:, 1] - PC_RANGE[1]) / PILLAR[1]).astype(np.int64)
    iz = np.floor((xyz[:, 2] - PC_RANGE[2]) / PILLAR[2]).astype(np.int64)
    valid = (ix >= 0) & (ix < NX) & (iy >= 0) & (iy < NY) & (iz >= 0) & (iz < NZ)
    key = (iz * NY + iy) * NX + ix
    pts = np.nonzero(valid)[0]
    order = np.argsort(key[pts], kind='stable')
    ps = pts[order]
    ks = key[pts][order]
    uk, start, counts = np.unique(ks, return_index=True, return_counts=True)
    nv = min(len(uk), MAXV)
    gather = np.zeros((nv, MAXP), dtype=np.int32)
    grp = np.repeat(np.arange(len(uk)), counts)
    pos = np.arange(len(ks)) - start[grp]
    sel = (grp < nv) & (pos < MAXP)
    gather[grp[sel], pos[sel]] = (ps[sel] + base).astype(np.int32)
    npts = np.minimum(counts[:nv], MAXP).astype(np.int32)
    ukv = uk[:nv]
    cz = (ukv // (NX * NY)).astype(np.int32)
    cy = ((ukv // NX) % NY).astype(np.int32)
    cx = (ukv % NX).astype(np.int32)
    return gather, npts, cz, cy, cx


def setup_inputs():
    rng = np.random.RandomState(0)
    xyz = rng.uniform(size=(BATCH * NPTS, 3)) * (PC_RANGE[3:6] - PC_RANGE[0:3] - 1e-3) + PC_RANGE[0:3]
    feats = rng.randn(BATCH * NPTS, IN_CH).astype(np.float32)
    points = np.concatenate([xyz.astype(np.float32), feats], axis=1)
    gs, ns, cs = [], [], []
    for b in range(BATCH):
        g, n, cz, cy, cx = _voxelize(xyz[b * NPTS:(b + 1) * NPTS], b * NPTS)
        gs.append(g)
        ns.append(n)
        cs.append(np.stack([np.full(len(n), b, np.int32), cz, cy, cx], axis=1))
    in_f = IN_CH + 9
    k = jax.random.key(0)
    W = jax.random.normal(jax.random.fold_in(k, 1), (C_OUT, in_f), dtype=jnp.float32) / np.sqrt(in_f)
    gamma = jnp.ones((C_OUT,), jnp.float32)
    beta = jnp.zeros((C_OUT,), jnp.float32)
    return {'points': jnp.asarray(points), 'W': W, 'gamma': gamma, 'beta': beta,
            'gather_idx': jnp.asarray(np.concatenate(gs, 0)),
            'num_points': jnp.asarray(np.concatenate(ns, 0)),
            'coords': jnp.asarray(np.concatenate(cs, 0))}


def _forward(points, W, gamma, beta, gather_idx, num_points, coords):
    # gather points into pillars (PointToVoxel zero-pads empty slots)
    raw = points[gather_idx]
    pad = (jnp.arange(MAXP)[None, :] < num_points[:, None]).astype(points.dtype)[..., None]
    raw = raw * pad
    axyz = raw[:, :, :3]
    feats = raw[:, :, 3:]
    # USE_ABSOLUTE_XYZ
    pillars = jnp.concatenate([axyz, feats], axis=-1)
    # USE_RELATIVE_XYZ_TO_CLUSTER
    mean_xyz = axyz.sum(axis=1, keepdims=True) / num_points.astype(points.dtype).reshape(-1, 1, 1)
    pillars = jnp.concatenate([pillars, axyz - mean_xyz], axis=-1)
    # USE_RELATIVE_XYZ_TO_CENTER
    cxf = coords[:, 3].astype(points.dtype)[:, None] * PX + X_OFF
    cyf = coords[:, 2].astype(points.dtype)[:, None] * PY + Y_OFF
    czf = coords[:, 1].astype(points.dtype)[:, None] * PZ + Z_OFF
    xtc = jnp.stack([axyz[:, :, 0] - cxf, axyz[:, :, 1] - cyf, axyz[:, :, 2] - czf], axis=-1)
    pillars = jnp.concatenate([pillars, xtc], axis=-1)
    pillars = pillars * pad
    # PFNLayer (single, last_layer=True): linear -> BN (training batch stats) -> relu -> max over points
    h = pillars @ W.T
    mean = h.mean(axis=(0, 1))
    var = ((h - mean) ** 2).mean(axis=(0, 1))
    h = gamma * (h - mean) / jnp.sqrt(var + 1e-3) + beta
    h = jax.nn.relu(h)
    pmax = h.max(axis=1)
    # scatter pillar features into dense BEV grid per batch
    bs = BATCH
    cell = coords[:, 1].astype(jnp.int32) + coords[:, 2].astype(jnp.int32) * NX + coords[:, 3].astype(jnp.int32)
    full_idx = coords[:, 0].astype(jnp.int32) * (NZ * NY * NX) + cell
    grid = jnp.zeros((bs * NZ * NY * NX, C_OUT), dtype=pmax.dtype)
    grid = grid.at[full_idx].set(pmax)
    out = grid.reshape(bs, NZ * NY * NX, C_OUT).transpose(0, 2, 1)
    return out.reshape(bs, C_OUT * NZ, NY, NX)


def reference(points, W, gamma, beta, gather_idx, num_points, coords):
    return _forward(points, W, gamma, beta, gather_idx, num_points, coords)

if __name__ == "__main__":
    import jax
    _d = setup_inputs()
    print(jax.jit(kernel)(*tuple(_d.values())))

</pallas_src>

<mosaic_0001>
#map = affine_map<(d0, d1) -> (0, 0)>
#map1 = affine_map<(d0, d1) -> (0, 0, 0)>
module attributes {stable_mosaic.version = 14 : i64} {
  func.func @k(%arg0: i32, %arg1: i32, %arg2: memref<400000x16xf32, #tpu.memory_space<hbm>>, %arg3: memref<32x500x128xi32, #tpu.memory_space<hbm>>, %arg4: memref<2048000x16xf32, #tpu.memory_space<hbm>>, %arg5: memref<500x128xi32, #tpu.memory_space<vmem>>, %arg6: memref<128x16xf32, #tpu.memory_space<vmem>>, %arg7: memref<!tpu.dma_semaphore, #tpu.memory_space<semaphore_mem>>) attributes {dimension_semantics = [#tpu.dimension_semantics<core_parallel>, #tpu.dimension_semantics<subcore_parallel>], iteration_bounds = array<i64: 2, 16>, scalar_prefetch = 0 : i64, scratch_operands = 3 : i64, tpu.core_type = #tpu.core_type<sc_vector_subcore>, window_params = [{transform_indices = #map}, {transform_indices = #map1}, {transform_indices = #map}]} {
    %mul3A = arith.constant 2 : i32
    %mul3A_0 = arith.muli %arg1, %mul3A : i32
    %add3A = arith.addi %mul3A_0, %arg0 : i32
    %mul3A_1 = arith.constant 500 : i32
    %mul3A_2 = arith.muli %add3A, %mul3A_1 : i32
    "tpu.region"() ({
      %run_scoped3A = tpu.sem_alloc : memref<!tpu.dma_semaphore, #tpu.memory_space<semaphore_mem>>
      %dma_start3A = arith.constant 0 : i32
      %dma_start3A_9 = arith.constant 0 : i32
      %dma_start3A_10 = tpu.memref_slice %arg3[%add3A, %dma_start3A, %dma_start3A_9] : memref<32x500x128xi32, #tpu.memory_space<hbm>> -> memref<1x500x128xi32, #tpu.memory_space<hbm>>
      %dma_start3A_11 = tpu.memref_squeeze %dma_start3A_10 : memref<1x500x128xi32, #tpu.memory_space<hbm>> -> memref<500x128xi32, #tpu.memory_space<hbm>>
      %dma_start3A_12 = arith.constant 0 : i32
      %dma_start3A_13 = arith.constant 0 : i32
      %dma_start3A_14 = tpu.memref_slice %arg3[%add3A, %dma_start3A_12, %dma_start3A_13] : memref<32x500x128xi32, #tpu.memory_space<hbm>> -> memref<1x500x128xi32, #tpu.memory_space<hbm>>
      %dma_start3A_15 = tpu.memref_squeeze %dma_start3A_14 : memref<1x500x128xi32, #tpu.memory_space<hbm>> -> memref<500x128xi32, #tpu.memory_space<hbm>>
      tpu.enqueue_dma source(%dma_start3A_15 : memref<500x128xi32, #tpu.memory_space<hbm>>) target(%arg5 : memref<500x128xi32, #tpu.memory_space<vmem>>) target_semaphore(%run_scoped3A : memref<!tpu.dma_semaphore, #tpu.memory_space<semaphore_mem>>)
      %dma_wait3A = arith.constant 0 : i32
      %dma_wait3A_16 = arith.constant 0 : i32
      %dma_wait3A_17 = tpu.memref_slice %arg3[%add3A, %dma_wait3A, %dma_wait3A_16] : memref<32x500x128xi32, #tpu.memory_space<hbm>> -> memref<1x500x128xi32, #tpu.memory_space<hbm>>
      %dma_wait3A_18 = tpu.memref_squeeze %dma_wait3A_17 : memref<1x500x128xi32, #tpu.memory_space<hbm>> -> memref<500x128xi32, #tpu.memory_space<hbm>>
      %dma_wait3A_19 = arith.constant 0 : i32
      %dma_wait3A_20 = arith.constant 0 : i32
      %dma_wait3A_21 = tpu.memref_slice %arg3[%add3A, %dma_wait3A_19, %dma_wait3A_20] : memref<32x500x128xi32, #tpu.memory_space<hbm>> -> memref<1x500x128xi32, #tpu.memory_space<hbm>>
      %dma_wait3A_22 = tpu.memref_squeeze %dma_wait3A_21 : memref<1x500x128xi32, #tpu.memory_space<hbm>> -> memref<500x128xi32, #tpu.memory_space<hbm>>
      tpu.wait_dma2 semaphore(%run_scoped3A : memref<!tpu.dma_semaphore, #tpu.memory_space<semaphore_mem>>) src(%dma_wait3A_22 : memref<500x128xi32, #tpu.memory_space<hbm>>) dst(%arg5 : memref<500x128xi32, #tpu.memory_space<vmem>>)
      tpu.yield
    }) : () -> ()
    %scan3A = arith.constant 0 : i32
    %scan3A_3 = arith.constant 0 : i32
    %scan3A_4 = arith.constant 500 : i32
    %scan3A_5 = arith.addi %scan3A_3, %scan3A_4 : i32
    %scan3A_6 = arith.constant 1 : i32
    %scan3A_7 = scf.for %scan3A_9 = %scan3A_3 to %scan3A_5 step %scan3A_6 iter_args(%scan3A_10 = %scan3A) -> (i32)  : i32 {
      %dma_start3A = arith.constant 0 : i32
      %dma_start3A_11 = tpu.memref_slice %arg5[%scan3A_9, %dma_start3A] : memref<500x128xi32, #tpu.memory_space<vmem>> -> memref<1x128xi32, #tpu.memory_space<vmem>>
      %dma_start3A_12 = tpu.memref_squeeze %dma_start3A_11 : memref<1x128xi32, #tpu.memory_space<vmem>> -> memref<128xi32, #tpu.memory_space<vmem>>
      %dma_start3A_13 = arith.constant 0 : i32
      %dma_start3A_14 = arith.constant 0 : i32
      %dma_start3A_15 = tpu.memref_slice %arg2[%dma_start3A_13, %dma_start3A_14] : memref<400000x16xf32, #tpu.memory_space<hbm>> -> memref<400000x16xf32, #tpu.memory_space<hbm>>
      tpu.enqueue_indirect_dma source(%dma_start3A_15 : memref<400000x16xf32, #tpu.memory_space<hbm>>) target(%arg6 : memref<128x16xf32, #tpu.memory_space<vmem>>) offsets(%dma_start3A_12 : memref<128xi32, #tpu.memory_space<vmem>>) semaphore(%arg7 : memref<!tpu.dma_semaphore, #tpu.memory_space<semaphore_mem>>)
      %dma_wait3A = arith.constant 0 : i32
      %dma_wait3A_16 = tpu.memref_slice %arg5[%scan3A_9, %dma_wait3A] : memref<500x128xi32, #tpu.memory_space<vmem>> -> memref<1x128xi32, #tpu.memory_space<vmem>>
      %dma_wait3A_17 = tpu.memref_squeeze %dma_wait3A_16 : memref<1x128xi32, #tpu.memory_space<vmem>> -> memref<128xi32, #tpu.memory_space<vmem>>
      %dma_wait3A_18 = arith.constant 0 : i32
      %dma_wait3A_19 = arith.constant 0 : i32
      %dma_wait3A_20 = tpu.memref_slice %arg2[%dma_wait3A_18, %dma_wait3A_19] : memref<400000x16xf32, #tpu.memory_space<hbm>> -> memref<400000x16xf32, #tpu.memory_space<hbm>>
      tpu.wait_indirect_dma semaphore(%arg7 : memref<!tpu.dma_semaphore, #tpu.memory_space<semaphore_mem>>) src(%dma_wait3A_20 : memref<400000x16xf32, #tpu.memory_space<hbm>>) dst(%arg6 : memref<128x16xf32, #tpu.memory_space<vmem>>)
      %add3A_21 = arith.addi %mul3A_2, %scan3A_9 : i32
      %mul3A_22 = arith.constant 128 : i32
      %mul3A_23 = arith.muli %add3A_21, %mul3A_22 : i32
      "tpu.region"() ({
        %run_scoped3A = tpu.sem_alloc : memref<!tpu.dma_semaphore, #tpu.memory_space<semaphore_mem>>
        %dma_start3A_25 = arith.constant 0 : i32
        %dma_start3A_26 = tpu.memref_slice %arg4[%mul3A_23, %dma_start3A_25] : memref<2048000x16xf32, #tpu.memory_space<hbm>> -> memref<128x16xf32, #tpu.memory_space<hbm>>
        %dma_start3A_27 = arith.constant 0 : i32
        %dma_start3A_28 = tpu.memref_slice %arg4[%mul3A_23, %dma_start3A_27] : memref<2048000x16xf32, #tpu.memory_space<hbm>> -> memref<128x16xf32, #tpu.memory_space<hbm>>
        tpu.enqueue_dma source(%arg6 : memref<128x16xf32, #tpu.memory_space<vmem>>) target(%dma_start3A_28 : memref<128x16xf32, #tpu.memory_space<hbm>>) target_semaphore(%run_scoped3A : memref<!tpu.dma_semaphore, #tpu.memory_space<semaphore_mem>>)
        %dma_wait3A_29 = arith.constant 0 : i32
        %dma_wait3A_30 = tpu.memref_slice %arg4[%mul3A_23, %dma_wait3A_29] : memref<2048000x16xf32, #tpu.memory_space<hbm>> -> memref<128x16xf32, #tpu.memory_space<hbm>>
        %dma_wait3A_31 = arith.constant 0 : i32
        %dma_wait3A_32 = tpu.memref_slice %arg4[%mul3A_23, %dma_wait3A_31] : memref<2048000x16xf32, #tpu.memory_space<hbm>> -> memref<128x16xf32, #tpu.memory_space<hbm>>
        tpu.wait_dma2 semaphore(%run_scoped3A : memref<!tpu.dma_semaphore, #tpu.memory_space<semaphore_mem>>) src(%arg6 : memref<128x16xf32, #tpu.memory_space<vmem>>) dst(%dma_wait3A_32 : memref<128x16xf32, #tpu.memory_space<hbm>>)
        tpu.yield
      }) : () -> ()
      %scan3A_24 = arith.constant 0 : i32
      scf.yield %scan3A_24 : i32
    }
    %scan3A_8 = arith.constant 500 : i32
    return
  }
}

#map = affine_map<(d0, d1) -> (0)>
module attributes {stable_mosaic.version = 14 : i64} {
  func.func @k(%arg0: i32, %arg1: i32, %arg2: memref<64000xi32, #tpu.memory_space<hbm>>, %arg3: memref<857088xi32, #tpu.memory_space<hbm>>, %arg4: memref<26784xi32, #tpu.memory_space<vmem>>, %arg5: memref<64000xi32, #tpu.memory_space<vmem>>) attributes {dimension_semantics = [#tpu.dimension_semantics<core_parallel>, #tpu.dimension_semantics<subcore_parallel>], iteration_bounds = array<i64: 2, 16>, scalar_prefetch = 0 : i64, scratch_operands = 2 : i64, tpu.core_type = #tpu.core_type<sc_vector_subcore>, window_params = [{transform_indices = #map}, {transform_indices = #map}]} {
    %mul3A = arith.constant 2 : i32
    %mul3A_0 = arith.muli %arg1, %mul3A : i32
    %add3A = arith.addi %mul3A_0, %arg0 : i32
    %mul3A_1 = arith.constant 26784 : i32
    %mul3A_2 = arith.muli %add3A, %mul3A_1 : i32
    "tpu.region"() ({
      %run_scoped3A = tpu.sem_alloc : memref<!tpu.dma_semaphore, #tpu.memory_space<semaphore_mem>>
      tpu.enqueue_dma source(%arg2 : memref<64000xi32, #tpu.memory_space<hbm>>) target(%arg5 : memref<64000xi32, #tpu.memory_space<vmem>>) target_semaphore(%run_scoped3A : memref<!tpu.dma_semaphore, #tpu.memory_space<semaphore_mem>>)
      tpu.wait_dma2 semaphore(%run_scoped3A : memref<!tpu.dma_semaphore, #tpu.memory_space<semaphore_mem>>) src(%arg2 : memref<64000xi32, #tpu.memory_space<hbm>>) dst(%arg5 : memref<64000xi32, #tpu.memory_space<vmem>>)
      tpu.yield
    }) : () -> ()
    %broadcast_in_dim3A = arith.constant 64000 : i32
    %broadcast_in_dim3A_3 = vector.broadcast %broadcast_in_dim3A : i32 to vector<16xi32>
    %scan3A = arith.constant 0 : i32
    %scan3A_4 = arith.constant 0 : i32
    %scan3A_5 = arith.constant 1674 : i32
    %scan3A_6 = arith.addi %scan3A_4, %scan3A_5 : i32
    %scan3A_7 = arith.constant 1 : i32
    %scan3A_8 = scf.for %scan3A_17 = %scan3A_4 to %scan3A_6 step %scan3A_7 iter_args(%scan3A_18 = %scan3A) -> (i32)  : i32 {
      %mul3A_19 = arith.constant 16 : i32
      %mul3A_20 = arith.muli %scan3A_17, %mul3A_19 : i32
      %swap3A = arith.index_cast %mul3A_20 : i32 to index
      %swap3A_21 = tpu.vector_load %arg4[%swap3A] {strides = array<i32>} : memref<26784xi32, #tpu.memory_space<vmem>>, vector<16xi32>,
      tpu.vector_store %arg4[%swap3A], %broadcast_in_dim3A_3 {strides = array<i32>} : memref<26784xi32, #tpu.memory_space<vmem>>, vector<16xi32>,
      %scan3A_22 = arith.constant 0 : i32
      scf.yield %scan3A_22 : i32
    }
    %scan3A_9 = arith.constant 1674 : i32
    %iota3A = tpu.iota {dimensions = array<i32: 0>} : vector<16xi32>
    %scan3A_10 = arith.constant 0 : i32
    %scan3A_11 = arith.constant 0 : i32
    %scan3A_12 = arith.constant 4000 : i32
    %scan3A_13 = arith.addi %scan3A_11, %scan3A_12 : i32
    %scan3A_14 = arith.constant 1 : i32
    %scan3A_15 = scf.for %scan3A_17 = %scan3A_11 to %scan3A_13 step %scan3A_14 iter_args(%scan3A_18 = %scan3A_10) -> (i32)  : i32 {
      %mul3A_19 = arith.constant 16 : i32
      %mul3A_20 = arith.muli %scan3A_17, %mul3A_19 : i32
      %get3A = arith.index_cast %mul3A_20 : i32 to index
      %get3A_21 = tpu.vector_load %arg5[%get3A] {strides = array<i32>} : memref<64000xi32, #tpu.memory_space<vmem>>, vector<16xi32>,
      %sub3A = vector.broadcast %mul3A_2 : i32 to vector<16xi32>
      %sub3A_22 = arith.subi %get3A_21, %sub3A : vector<16xi32>
      %ge3A = arith.constant 0 : i32
      %ge3A_23 = vector.broadcast %ge3A : i32 to vector<16xi32>
      %ge3A_24 = arith.cmpi sge, %sub3A_22, %ge3A_23 : vector<16xi32>
      %lt3A = arith.constant 26784 : i32
      %lt3A_25 = vector.broadcast %lt3A : i32 to vector<16xi32>
      %lt3A_26 = arith.cmpi slt, %sub3A_22, %lt3A_25 : vector<16xi32>
      %and3A = arith.andi %ge3A_24, %lt3A_26 : vector<16xi1>
      %mul3A_27 = arith.constant 16 : i32
      %mul3A_28 = arith.muli %scan3A_17, %mul3A_27 : i32
      %add3A_29 = vector.broadcast %mul3A_28 : i32 to vector<16xi32>
      %add3A_30 = arith.addi %add3A_29, %iota3A : vector<16xi32>
      tpu.vector_store_idx %arg4[%sub3A_22], %add3A_30 masked %and3A : memref<26784xi32, #tpu.memory_space<vmem>>[vector<16xi32>], vector<16xi32>, vector<16xi1>
      %scan3A_31 = arith.constant 0 : i32
      scf.yield %scan3A_31 : i32
    }
    %scan3A_16 = arith.constant 4000 : i32
    "tpu.region"() ({
      %run_scoped3A = tpu.sem_alloc : memref<!tpu.dma_semaphore, #tpu.memory_space<semaphore_mem>>
      %dma_start3A = tpu.memref_slice %arg3[%mul3A_2] : memref<857088xi32, #tpu.memory_space<hbm>> -> memref<26784xi32, #tpu.memory_space<hbm>>
      %dma_start3A_17 = tpu.memref_slice %arg3[%mul3A_2] : memref<857088xi32, #tpu.memory_space<hbm>> -> memref<26784xi32, #tpu.memory_space<hbm>>
      tpu.enqueue_dma source(%arg4 : memref<26784xi32, #tpu.memory_space<vmem>>) target(%dma_start3A_17 : memref<26784xi32, #tpu.memory_space<hbm>>) target_semaphore(%run_scoped3A : memref<!tpu.dma_semaphore, #tpu.memory_space<semaphore_mem>>)
      %dma_wait3A = tpu.memref_slice %arg3[%mul3A_2] : memref<857088xi32, #tpu.memory_space<hbm>> -> memref<26784xi32, #tpu.memory_space<hbm>>
      %dma_wait3A_18 = tpu.memref_slice %arg3[%mul3A_2] : memref<857088xi32, #tpu.memory_space<hbm>> -> memref<26784xi32, #tpu.memory_space<hbm>>
      tpu.wait_dma2 semaphore(%run_scoped3A : memref<!tpu.dma_semaphore, #tpu.memory_space<semaphore_mem>>) src(%arg4 : memref<26784xi32, #tpu.memory_space<vmem>>) dst(%dma_wait3A_18 : memref<26784xi32, #tpu.memory_space<hbm>>)
      tpu.yield
    }) : () -> ()
    return
  }
}

#map = affine_map<(d0, d1) -> (0, 0)>
#map1 = affine_map<(d0, d1) -> (0)>
module attributes {stable_mosaic.version = 14 : i64} {
  func.func @k(%arg0: i32, %arg1: i32, %arg2: memref<64008x64xf32, #tpu.memory_space<hbm>>, %arg3: memref<857088xi32, #tpu.memory_space<hbm>>, %arg4: memref<857088x64xf32, #tpu.memory_space<hbm>>, %arg5: memref<26784xi32, #tpu.memory_space<vmem>>, %arg6: memref<128x64xf32, #tpu.memory_space<vmem>>, %arg7: memref<!tpu.dma_semaphore, #tpu.memory_space<semaphore_mem>>) attributes {dimension_semantics = [#tpu.dimension_semantics<core_parallel>, #tpu.dimension_semantics<subcore_parallel>], iteration_bounds = array<i64: 2, 16>, scalar_prefetch = 0 : i64, scratch_operands = 3 : i64, tpu.core_type = #tpu.core_type<sc_vector_subcore>, window_params = [{transform_indices = #map}, {transform_indices = #map1}, {transform_indices = #map}]} {
    %mul3A = arith.constant 2 : i32
    %mul3A_0 = arith.muli %arg1, %mul3A : i32
    %add3A = arith.addi %mul3A_0, %arg0 : i32
    %mul3A_1 = arith.constant 26784 : i32
    %mul3A_2 = arith.muli %add3A, %mul3A_1 : i32
    "tpu.region"() ({
      %run_scoped3A = tpu.sem_alloc : memref<!tpu.dma_semaphore, #tpu.memory_space<semaphore_mem>>
      %dma_start3A = tpu.memref_slice %arg3[%mul3A_2] : memref<857088xi32, #tpu.memory_space<hbm>> -> memref<26784xi32, #tpu.memory_space<hbm>>
      %dma_start3A_9 = tpu.memref_slice %arg3[%mul3A_2] : memref<857088xi32, #tpu.memory_space<hbm>> -> memref<26784xi32, #tpu.memory_space<hbm>>
      tpu.enqueue_dma source(%dma_start3A_9 : memref<26784xi32, #tpu.memory_space<hbm>>) target(%arg5 : memref<26784xi32, #tpu.memory_space<vmem>>) target_semaphore(%run_scoped3A : memref<!tpu.dma_semaphore, #tpu.memory_space<semaphore_mem>>)
      %dma_wait3A = tpu.memref_slice %arg3[%mul3A_2] : memref<857088xi32, #tpu.memory_space<hbm>> -> memref<26784xi32, #tpu.memory_space<hbm>>
      %dma_wait3A_10 = tpu.memref_slice %arg3[%mul3A_2] : memref<857088xi32, #tpu.memory_space<hbm>> -> memref<26784xi32, #tpu.memory_space<hbm>>
      tpu.wait_dma2 semaphore(%run_scoped3A : memref<!tpu.dma_semaphore, #tpu.memory_space<semaphore_mem>>) src(%dma_wait3A_10 : memref<26784xi32, #tpu.memory_space<hbm>>) dst(%arg5 : memref<26784xi32, #tpu.memory_space<vmem>>)
      tpu.yield
    }) : () -> ()
    %scan3A = arith.constant 0 : i32
    %scan3A_3 = arith.constant 0 : i32
    %scan3A_4 = arith.constant 210 : i32
    %scan3A_5 = arith.addi %scan3A_3, %scan3A_4 : i32
    %scan3A_6 = arith.constant 1 : i32
    %scan3A_7 = scf.for %scan3A_9 = %scan3A_3 to %scan3A_5 step %scan3A_6 iter_args(%scan3A_10 = %scan3A) -> (i32)  : i32 {
      %mul3A_11 = arith.constant 128 : i32
      %mul3A_12 = arith.muli %scan3A_9, %mul3A_11 : i32
      %min3A = arith.constant 26656 : i32
      %min3A_13 = arith.minsi %mul3A_12, %min3A : i32
      %dma_start3A = tpu.memref_slice %arg5[%min3A_13] : memref<26784xi32, #tpu.memory_space<vmem>> -> memref<128xi32, #tpu.memory_space<vmem>>
      %dma_start3A_14 = arith.constant 0 : i32
      %dma_start3A_15 = arith.constant 0 : i32
      %dma_start3A_16 = tpu.memref_slice %arg2[%dma_start3A_14, %dma_start3A_15] : memref<64008x64xf32, #tpu.memory_space<hbm>> -> memref<64008x64xf32, #tpu.memory_space<hbm>>
      tpu.enqueue_indirect_dma source(%dma_start3A_16 : memref<64008x64xf32, #tpu.memory_space<hbm>>) target(%arg6 : memref<128x64xf32, #tpu.memory_space<vmem>>) offsets(%dma_start3A : memref<128xi32, #tpu.memory_space<vmem>>) semaphore(%arg7 : memref<!tpu.dma_semaphore, #tpu.memory_space<semaphore_mem>>)
      %dma_wait3A = tpu.memref_slice %arg5[%min3A_13] : memref<26784xi32, #tpu.memory_space<vmem>> -> memref<128xi32, #tpu.memory_space<vmem>>
      %dma_wait3A_17 = arith.constant 0 : i32
      %dma_wait3A_18 = arith.constant 0 : i32
      %dma_wait3A_19 = tpu.memref_slice %arg2[%dma_wait3A_17, %dma_wait3A_18] : memref<64008x64xf32, #tpu.memory_space<hbm>> -> memref<64008x64xf32, #tpu.memory_space<hbm>>
      tpu.wait_indirect_dma semaphore(%arg7 : memref<!tpu.dma_semaphore, #tpu.memory_space<semaphore_mem>>) src(%dma_wait3A_19 : memref<64008x64xf32, #tpu.memory_space<hbm>>) dst(%arg6 : memref<128x64xf32, #tpu.memory_space<vmem>>)
      %add3A_20 = arith.addi %mul3A_2, %min3A_13 : i32
      "tpu.region"() ({
        %run_scoped3A = tpu.sem_alloc : memref<!tpu.dma_semaphore, #tpu.memory_space<semaphore_mem>>
        %dma_start3A_22 = arith.constant 0 : i32
        %dma_start3A_23 = tpu.memref_slice %arg4[%add3A_20, %dma_start3A_22] : memref<857088x64xf32, #tpu.memory_space<hbm>> -> memref<128x64xf32, #tpu.memory_space<hbm>>
        %dma_start3A_24 = arith.constant 0 : i32
        %dma_start3A_25 = tpu.memref_slice %arg4[%add3A_20, %dma_start3A_24] : memref<857088x64xf32, #tpu.memory_space<hbm>> -> memref<128x64xf32, #tpu.memory_space<hbm>>
        tpu.enqueue_dma source(%arg6 : memref<128x64xf32, #tpu.memory_space<vmem>>) target(%dma_start3A_25 : memref<128x64xf32, #tpu.memory_space<hbm>>) target_semaphore(%run_scoped3A : memref<!tpu.dma_semaphore, #tpu.memory_space<semaphore_mem>>)
        %dma_wait3A_26 = arith.constant 0 : i32
        %dma_wait3A_27 = tpu.memref_slice %arg4[%add3A_20, %dma_wait3A_26] : memref<857088x64xf32, #tpu.memory_space<hbm>> -> memref<128x64xf32, #tpu.memory_space<hbm>>
        %dma_wait3A_28 = arith.constant 0 : i32
        %dma_wait3A_29 = tpu.memref_slice %arg4[%add3A_20, %dma_wait3A_28] : memref<857088x64xf32, #tpu.memory_space<hbm>> -> memref<128x64xf32, #tpu.memory_space<hbm>>
        tpu.wait_dma2 semaphore(%run_scoped3A : memref<!tpu.dma_semaphore, #tpu.memory_space<semaphore_mem>>) src(%arg6 : memref<128x64xf32, #tpu.memory_space<vmem>>) dst(%dma_wait3A_29 : memref<128x64xf32, #tpu.memory_space<hbm>>)
        tpu.yield
      }) : () -> ()
      %scan3A_21 = arith.constant 0 : i32
      scf.yield %scan3A_21 : i32
    }
    %scan3A_8 = arith.constant 210 : i32
    return
  }
}

module attributes {stable_mosaic.version = 14 : i64} {
  func.func @_tc_pillar_body(%arg0: i32, %arg1: memref<8192x16xf32, #tpu.memory_space<vmem>>, %arg2: memref<256x1xf32, #tpu.memory_space<vmem>>, %arg3: memref<256x3xf32, #tpu.memory_space<vmem>>, %arg4: memref<32x64xf32, #tpu.memory_space<vmem>>, %arg5: memref<256x64xf32, #tpu.memory_space<vmem>>, %arg6: memref<256x64xf32, #tpu.memory_space<vmem>>, %arg7: memref<2x64xf32, #tpu.memory_space<vmem>>) attributes {dimension_semantics = [#tpu.dimension_semantics<arbitrary>], iteration_bounds = array<i64: 250>, scalar_prefetch = 0 : i64, scratch_operands = 0 : i64, tpu.core_type = #tpu.core_type<tc>, window_params = [{transform_indices = @transform_0, window_bounds = array<i64: 8192, 16>}, {transform_indices = @transform_1, window_bounds = array<i64: 256, 1>}, {transform_indices = @transform_2, window_bounds = array<i64: 256, 3>}, {pipeline_mode = #tpu.pipeline_mode<synchronous>, transform_indices = @transform_3, window_bounds = array<i64: 32, 64>}, {transform_indices = @transform_4, window_bounds = array<i64: 256, 64>}, {transform_indices = @transform_5, window_bounds = array<i64: 256, 64>}, {pipeline_mode = #tpu.pipeline_mode<synchronous>, transform_indices = @transform_6, window_bounds = array<i64: 2, 64>}]} {
    %get3A = arith.constant 0 : index
    %get3A_0 = arith.constant 0 : index
    %get3A_1 = vector.load %arg1[%get3A, %get3A_0] : memref<8192x16xf32, #tpu.memory_space<vmem>>, vector<8192x16xf32>
    %reshape3A = vector.shape_cast %get3A_1 : vector<8192x16xf32> to vector<256x32x16xf32>
    %get3A_2 = arith.constant 0 : index
    %get3A_3 = arith.constant 0 : index
    %get3A_4 = vector.load %arg2[%get3A_2, %get3A_3] : memref<256x1xf32, #tpu.memory_space<vmem>>, vector<256x1xf32>
    %reshape3A_5 = vector.shape_cast %get3A_4 : vector<256x1xf32> to vector<256x1x1xf32>
    %iota3A = tpu.iota {dimensions = array<i32: 1>} : vector<256x32x1xi32>
    %convert_element_type3A = arith.sitofp %iota3A : vector<256x32x1xi32> to vector<256x32x1xf32>
    %lt3A = vector.broadcast %reshape3A_5 : vector<256x1x1xf32> to vector<256x32x1xf32>
    %lt3A_6 = arith.cmpf olt, %convert_element_type3A, %lt3A : vector<256x32x1xf32>
    %convert_element_type3A_7 = arith.extui %lt3A_6 : vector<256x32x1xi1> to vector<256x32x1xi32>
    %convert_element_type3A_8 = arith.sitofp %convert_element_type3A_7 : vector<256x32x1xi32> to vector<256x32x1xf32>
    %mul3A = vector.broadcast %convert_element_type3A_8 : vector<256x32x1xf32> to vector<256x32x16xf32>
    %mul3A_9 = arith.mulf %reshape3A, %mul3A : vector<256x32x16xf32>
    %slice3A = vector.extract_strided_slice %mul3A_9 {offsets = [0, 0, 0], sizes = [256, 32, 3], strides = [1, 1, 1]} : vector<256x32x16xf32> to vector<256x32x3xf32>
    %slice3A_10 = vector.extract_strided_slice %mul3A_9 {offsets = [0, 0, 3], sizes = [256, 32, 8], strides = [1, 1, 1]} : vector<256x32x16xf32> to vector<256x32x8xf32>
    %reduce_sum3A = arith.constant dense<0.000000e+00> : vector<256x3xf32>
    %reduce_sum3A_11 = vector.multi_reduction <add>, %slice3A, %reduce_sum3A [1] : vector<256x32x3xf32> to vector<256x3xf32>
    %broadcast_in_dim3A = vector.shape_cast %reduce_sum3A_11 : vector<256x3xf32> to vector<256x1x3xf32>
    %div3A = vector.broadcast %reshape3A_5 : vector<256x1x1xf32> to vector<256x1x3xf32>
    %div3A_12 = arith.divf %broadcast_in_dim3A, %div3A : vector<256x1x3xf32>
    %get3A_13 = arith.constant 0 : index
    %get3A_14 = arith.constant 0 : index
    %get3A_15 = vector.load %arg3[%get3A_13, %get3A_14] : memref<256x3xf32, #tpu.memory_space<vmem>>, vector<256x3xf32>
    %reshape3A_16 = vector.shape_cast %get3A_15 : vector<256x3xf32> to vector<256x1x3xf32>
    %sub3A = vector.broadcast %div3A_12 : vector<256x1x3xf32> to vector<256x32x3xf32>
    %sub3A_17 = arith.subf %slice3A, %sub3A : vector<256x32x3xf32>
    %sub3A_18 = vector.broadcast %reshape3A_16 : vector<256x1x3xf32> to vector<256x32x3xf32>
    %sub3A_19 = arith.subf %slice3A, %sub3A_18 : vector<256x32x3xf32>
    %broadcast_in_dim3A_20 = arith.constant 0.000000e+00 : f32
    %broadcast_in_dim3A_21 = vector.broadcast %broadcast_in_dim3A_20 : f32 to vector<256x32x15xf32>
    %concatenate3A = tpu.concatenate %slice3A, %slice3A_10, %sub3A_17, %sub3A_19, %broadcast_in_dim3A_21 in 2 : vector<256x32x3xf32>, vector<256x32x8xf32>, vector<256x32x3xf32>, vector<256x32x3xf32>, vector<256x32x15xf32> -> vector<256x32x32xf32>
    %mul3A_22 = vector.broadcast %convert_element_type3A_8 : vector<256x32x1xf32> to vector<256x32x32xf32>
    %mul3A_23 = arith.mulf %concatenate3A, %mul3A_22 : vector<256x32x32xf32>
    %reshape3A_24 = vector.shape_cast %mul3A_23 : vector<256x32x32xf32> to vector<8192x32xf32>
    %get3A_25 = arith.constant 0 : index
    %get3A_26 = arith.constant 0 : index
    %get3A_27 = vector.load %arg4[%get3A_25, %get3A_26] : memref<32x64xf32, #tpu.memory_space<vmem>>, vector<32x64xf32>
    %dot_general3A = arith.constant dense<0.000000e+00> : vector<8192x64xf32>
    %dot_general3A_28 = tpu.matmul %reshape3A_24, %get3A_27, %dot_general3A {dimension_numbers = #tpu.dot_dimension_numbers<[1], [0], [0], [1], [0, 0, 1, 1], [], []>, transpose_lhs_hint = false} : vector<8192x32xf32>, vector<32x64xf32>, vector<8192x64xf32> -> vector<8192x64xf32>
    %reshape3A_29 = vector.shape_cast %dot_general3A_28 : vector<8192x64xf32> to vector<256x32x64xf32>
    %reduce_max3A = arith.constant dense<0xFF800000> : vector<256x64xf32>
    %reduce_max3A_30 = vector.multi_reduction <maximumf>, %reshape3A_29, %reduce_max3A [1] : vector<256x32x64xf32> to vector<256x64xf32>
    %swap3A = arith.constant 0 : index
    %swap3A_31 = arith.constant 0 : index
    %swap3A_32 = vector.load %arg5[%swap3A, %swap3A_31] : memref<256x64xf32, #tpu.memory_space<vmem>>, vector<256x64xf32>
    tpu.vector_store %arg5[%swap3A, %swap3A_31], %reduce_max3A_30 {strides = array<i32>} : memref<256x64xf32, #tpu.memory_space<vmem>>, vector<256x64xf32>,
    %reduce_min3A = arith.constant dense<0x7F800000> : vector<256x64xf32>
    %reduce_min3A_33 = vector.multi_reduction <minimumf>, %reshape3A_29, %reduce_min3A [1] : vector<256x32x64xf32> to vector<256x64xf32>
    %swap3A_34 = arith.constant 0 : index
    %swap3A_35 = arith.constant 0 : index
    %swap3A_36 = vector.load %arg6[%swap3A_34, %swap3A_35] : memref<256x64xf32, #tpu.memory_space<vmem>>, vector<256x64xf32>
    tpu.vector_store %arg6[%swap3A_34, %swap3A_35], %reduce_min3A_33 {strides = array<i32>} : memref<256x64xf32, #tpu.memory_space<vmem>>, vector<256x64xf32>,
    %eq3A = arith.constant 0 : i32
    %eq3A_37 = arith.cmpi eq, %arg0, %eq3A : i32
    %convert_element_type3A_38 = arith.extui %eq3A_37 : i1 to i32
    %cond3A = arith.constant 0 : i32
    %cond3A_39 = arith.cmpi ne, %convert_element_type3A_38, %cond3A : i32
    scf.if %cond3A_39 {
      %broadcast_in_dim3A_54 = arith.constant 0.000000e+00 : f32
      %broadcast_in_dim3A_55 = vector.broadcast %broadcast_in_dim3A_54 : f32 to vector<2x64xf32>
      %swap3A_56 = arith.constant 0 : index
      %swap3A_57 = arith.constant 0 : index
      %swap3A_58 = vector.load %arg7[%swap3A_56, %swap3A_57] : memref<2x64xf32, #tpu.memory_space<vmem>>, vector<2x64xf32>
      tpu.vector_store %arg7[%swap3A_56, %swap3A_57], %broadcast_in_dim3A_55 {strides = array<i32>} : memref<2x64xf32, #tpu.memory_space<vmem>>, vector<2x64xf32>,
    } else {
    }
    %reduce_sum3A_40 = arith.constant dense<0.000000e+00> : vector<64xf32>
    %reduce_sum3A_41 = vector.multi_reduction <add>, %dot_general3A_28, %reduce_sum3A_40 [0] : vector<8192x64xf32> to vector<64xf32>
    %reshape3A_42 = vector.shape_cast %reduce_sum3A_41 : vector<64xf32> to vector<1x64xf32>
    %mul3A_43 = arith.mulf %dot_general3A_28, %dot_general3A_28 : vector<8192x64xf32>
    %reduce_sum3A_44 = arith.constant dense<0.000000e+00> : vector<64xf32>
    %reduce_sum3A_45 = vector.multi_reduction <add>, %mul3A_43, %reduce_sum3A_44 [0] : vector<8192x64xf32> to vector<64xf32>
    %reshape3A_46 = vector.shape_cast %reduce_sum3A_45 : vector<64xf32> to vector<1x64xf32>
    %get3A_47 = arith.constant 0 : index
    %get3A_48 = arith.constant 0 : index
    %get3A_49 = vector.load %arg7[%get3A_47, %get3A_48] : memref<2x64xf32, #tpu.memory_space<vmem>>, vector<2x64xf32>
    %concatenate3A_50 = tpu.concatenate %reshape3A_42, %reshape3A_46 in 0 : vector<1x64xf32>, vector<1x64xf32> -> vector<2x64xf32>
    %add3A = arith.addf %get3A_49, %concatenate3A_50 : vector<2x64xf32>
    %swap3A_51 = arith.constant 0 : index
    %swap3A_52 = arith.constant 0 : index
    %swap3A_53 = vector.load %arg7[%swap3A_51, %swap3A_52] : memref<2x64xf32, #tpu.memory_space<vmem>>, vector<2x64xf32>
    tpu.vector_store %arg7[%swap3A_51, %swap3A_52], %add3A {strides = array<i32>} : memref<2x64xf32, #tpu.memory_space<vmem>>, vector<2x64xf32>,
    return
  }
  func.func @transform_0(%arg0: i32) -> (i32, i32) {
    %c0_i32 = arith.constant 0 : i32
    %c0_i32_0 = arith.constant 0 : i32
    return %arg0, %c0_i32 : i32, i32
  }
  func.func @transform_1(%arg0: i32) -> (i32, i32) {
    %c0_i32 = arith.constant 0 : i32
    %c0_i32_0 = arith.constant 0 : i32
    return %arg0, %c0_i32 : i32, i32
  }
  func.func @transform_2(%arg0: i32) -> (i32, i32) {
    %c0_i32 = arith.constant 0 : i32
    %c0_i32_0 = arith.constant 0 : i32
    return %arg0, %c0_i32 : i32, i32
  }
  func.func @transform_3(%arg0: i32) -> (i32, i32) {
    %c0_i32 = arith.constant 0 : i32
    %c0_i32_0 = arith.constant 0 : i32
    %c0_i32_1 = arith.constant 0 : i32
    return %c0_i32, %c0_i32_0 : i32, i32
  }
  func.func @transform_4(%arg0: i32) -> (i32, i32) {
    %c0_i32 = arith.constant 0 : i32
    %c0_i32_0 = arith.constant 0 : i32
    return %arg0, %c0_i32 : i32, i32
  }
  func.func @transform_5(%arg0: i32) -> (i32, i32) {
    %c0_i32 = arith.constant 0 : i32
    %c0_i32_0 = arith.constant 0 : i32
    return %arg0, %c0_i32 : i32, i32
  }
  func.func @transform_6(%arg0: i32) -> (i32, i32) {
    %c0_i32 = arith.constant 0 : i32
    %c0_i32_0 = arith.constant 0 : i32
    %c0_i32_1 = arith.constant 0 : i32
    return %c0_i32, %c0_i32_0 : i32, i32
  }
}

module attributes {stable_mosaic.version = 14 : i64} {
  func.func @_tc_norm_body(%arg0: i32, %arg1: memref<2000x64xf32, #tpu.memory_space<vmem>>, %arg2: memref<2000x64xf32, #tpu.memory_space<vmem>>, %arg3: memref<2x64xf32, #tpu.memory_space<vmem>>, %arg4: memref<1x64xf32, #tpu.memory_space<vmem>>, %arg5: memref<1x64xf32, #tpu.memory_space<vmem>>, %arg6: memref<2000x4xi32, #tpu.memory_space<vmem>>, %arg7: memref<2000x64xf32, #tpu.memory_space<vmem>>, %arg8: memref<2000x1xi32, #tpu.memory_space<vmem>>) attributes {dimension_semantics = [#tpu.dimension_semantics<arbitrary>], iteration_bounds = array<i64: 32>, scalar_prefetch = 0 : i64, scratch_operands = 0 : i64, tpu.core_type = #tpu.core_type<tc>, window_params = [{transform_indices = @transform_0, window_bounds = array<i64: 2000, 64>}, {transform_indices = @transform_1, window_bounds = array<i64: 2000, 64>}, {pipeline_mode = #tpu.pipeline_mode<synchronous>, transform_indices = @transform_2, window_bounds = array<i64: 2, 64>}, {pipeline_mode = #tpu.pipeline_mode<synchronous>, transform_indices = @transform_3, window_bounds = array<i64: 1, 64>}, {pipeline_mode = #tpu.pipeline_mode<synchronous>, transform_indices = @transform_4, window_bounds = array<i64: 1, 64>}, {transform_indices = @transform_5, window_bounds = array<i64: 2000, 4>}, {transform_indices = @transform_6, window_bounds = array<i64: 2000, 64>}, {transform_indices = @transform_7, window_bounds = array<i64: 2000, 1>}]} {
    %get3A = arith.constant 0 : index
    %get3A_0 = arith.constant 0 : index
    %get3A_1 = vector.load %arg3[%get3A, %get3A_0] : memref<2x64xf32, #tpu.memory_space<vmem>>, vector<1x64xf32>
    %div3A = arith.constant 2.048000e+06 : f32
    %div3A_2 = vector.broadcast %div3A : f32 to vector<1x64xf32>
    %div3A_3 = arith.divf %get3A_1, %div3A_2 : vector<1x64xf32>
    %get3A_4 = arith.constant 1 : index
    %get3A_5 = arith.constant 0 : index
    %get3A_6 = vector.load %arg3[%get3A_4, %get3A_5] : memref<2x64xf32, #tpu.memory_space<vmem>>, vector<1x64xf32>
    %div3A_7 = arith.constant 2.048000e+06 : f32
    %div3A_8 = vector.broadcast %div3A_7 : f32 to vector<1x64xf32>
    %div3A_9 = arith.divf %get3A_6, %div3A_8 : vector<1x64xf32>
    %mul3A = arith.mulf %div3A_3, %div3A_3 : vector<1x64xf32>
    %sub3A = arith.subf %div3A_9, %mul3A : vector<1x64xf32>
    %get3A_10 = arith.constant 0 : index
    %get3A_11 = arith.constant 0 : index
    %get3A_12 = vector.load %arg4[%get3A_10, %get3A_11] : memref<1x64xf32, #tpu.memory_space<vmem>>, vector<1x64xf32>
    %add3A = arith.constant 1.000000e-03 : f32
    %add3A_13 = vector.broadcast %add3A : f32 to vector<1x64xf32>
    %add3A_14 = arith.addf %sub3A, %add3A_13 : vector<1x64xf32>
    %rsqrt3A = math.rsqrt %add3A_14 : vector<1x64xf32>
    %mul3A_15 = arith.mulf %get3A_12, %rsqrt3A : vector<1x64xf32>
    %get3A_16 = arith.constant 0 : index
    %get3A_17 = arith.constant 0 : index
    %get3A_18 = vector.load %arg5[%get3A_16, %get3A_17] : memref<1x64xf32, #tpu.memory_space<vmem>>, vector<1x64xf32>
    %mul3A_19 = arith.mulf %div3A_3, %mul3A_15 : vector<1x64xf32>
    %sub3A_20 = arith.subf %get3A_18, %mul3A_19 : vector<1x64xf32>
    %ge3A = arith.constant 0.000000e+00 : f32
    %ge3A_21 = vector.broadcast %ge3A : f32 to vector<1x64xf32>
    %ge3A_22 = arith.cmpf oge, %mul3A_15, %ge3A_21 : vector<1x64xf32>
    %get3A_23 = arith.constant 0 : index
    %get3A_24 = arith.constant 0 : index
    %get3A_25 = vector.load %arg1[%get3A_23, %get3A_24] : memref<2000x64xf32, #tpu.memory_space<vmem>>, vector<2000x64xf32>
    %get3A_26 = arith.constant 0 : index
    %get3A_27 = arith.constant 0 : index
    %get3A_28 = vector.load %arg2[%get3A_26, %get3A_27] : memref<2000x64xf32, #tpu.memory_space<vmem>>, vector<2000x64xf32>
    %broadcast_in_dim3A = vector.shape_cast %ge3A_22 : vector<1x64xi1> to vector<1x64xi1>
    %broadcast_in_dim3A_29 = vector.broadcast %broadcast_in_dim3A : vector<1x64xi1> to vector<2000x64xi1>
    %select_n3A = arith.select %broadcast_in_dim3A_29, %get3A_25, %get3A_28 : vector<2000x64xi1>, vector<2000x64xf32>
    %mul3A_30 = vector.broadcast %mul3A_15 : vector<1x64xf32> to vector<2000x64xf32>
    %mul3A_31 = arith.mulf %select_n3A, %mul3A_30 : vector<2000x64xf32>
    %add3A_32 = vector.broadcast %sub3A_20 : vector<1x64xf32> to vector<2000x64xf32>
    %add3A_33 = arith.addf %mul3A_31, %add3A_32 : vector<2000x64xf32>
    %max3A = arith.constant 0.000000e+00 : f32
    %max3A_34 = vector.broadcast %max3A : f32 to vector<2000x64xf32>
    %max3A_35 = arith.maximumf %add3A_33, %max3A_34 : vector<2000x64xf32>
    %swap3A = arith.constant 0 : index
    %swap3A_36 = arith.constant 0 : index
    %swap3A_37 = vector.load %arg7[%swap3A, %swap3A_36] : memref<2000x64xf32, #tpu.memory_space<vmem>>, vector<2000x64xf32>
    tpu.vector_store %arg7[%swap3A, %swap3A_36], %max3A_35 {strides = array<i32>} : memref<2000x64xf32, #tpu.memory_space<vmem>>, vector<2000x64xf32>,
    %get3A_38 = arith.constant 0 : index
    %get3A_39 = arith.constant 0 : index
    %get3A_40 = vector.load %arg6[%get3A_38, %get3A_39] : memref<2000x4xi32, #tpu.memory_space<vmem>>, vector<2000x4xi32>
    %slice3A = vector.extract_strided_slice %get3A_40 {offsets = [0, 0], sizes = [2000, 1], strides = [1, 1]} : vector<2000x4xi32> to vector<2000x1xi32>
    %mul3A_41 = arith.constant 214272 : i32
    %mul3A_42 = vector.broadcast %mul3A_41 : i32 to vector<2000x1xi32>
    %mul3A_43 = arith.muli %slice3A, %mul3A_42 : vector<2000x1xi32>
    %slice3A_44 = vector.extract_strided_slice %get3A_40 {offsets = [0, 1], sizes = [2000, 1], strides = [1, 1]} : vector<2000x4xi32> to vector<2000x1xi32>
    %add3A_45 = arith.addi %mul3A_43, %slice3A_44 : vector<2000x1xi32>
    %slice3A_46 = vector.extract_strided_slice %get3A_40 {offsets = [0, 2], sizes = [2000, 1], strides = [1, 1]} : vector<2000x4xi32> to vector<2000x1xi32>
    %mul3A_47 = arith.constant 432 : i32
    %mul3A_48 = vector.broadcast %mul3A_47 : i32 to vector<2000x1xi32>
    %mul3A_49 = arith.muli %slice3A_46, %mul3A_48 : vector<2000x1xi32>
    %add3A_50 = arith.addi %add3A_45, %mul3A_49 : vector<2000x1xi32>
    %slice3A_51 = vector.extract_strided_slice %get3A_40 {offsets = [0, 3], sizes = [2000, 1], strides = [1, 1]} : vector<2000x4xi32> to vector<2000x1xi32>
    %add3A_52 = arith.addi %add3A_50, %slice3A_51 : vector<2000x1xi32>
    %swap3A_53 = arith.constant 0 : index
    %swap3A_54 = arith.constant 0 : index
    %swap3A_55 = vector.load %arg8[%swap3A_53, %swap3A_54] : memref<2000x1xi32, #tpu.memory_space<vmem>>, vector<2000x1xi32>
    tpu.vector_store %arg8[%swap3A_53, %swap3A_54], %add3A_52 {strides = array<i32>} : memref<2000x1xi32, #tpu.memory_space<vmem>>, vector<2000x1xi32>,
    return
  }
  func.func @transform_0(%arg0: i32) -> (i32, i32) {
    %c0_i32 = arith.constant 0 : i32
    %c0_i32_0 = arith.constant 0 : i32
    return %arg0, %c0_i32 : i32, i32
  }
  func.func @transform_1(%arg0: i32) -> (i32, i32) {
    %c0_i32 = arith.constant 0 : i32
    %c0_i32_0 = arith.constant 0 : i32
    return %arg0, %c0_i32 : i32, i32
  }
  func.func @transform_2(%arg0: i32) -> (i32, i32) {
    %c0_i32 = arith.constant 0 : i32
    %c0_i32_0 = arith.constant 0 : i32
    %c0_i32_1 = arith.constant 0 : i32
    return %c0_i32, %c0_i32_0 : i32, i32
  }
  func.func @transform_3(%arg0: i32) -> (i32, i32) {
    %c0_i32 = arith.constant 0 : i32
    %c0_i32_0 = arith.constant 0 : i32
    %c0_i32_1 = arith.constant 0 : i32
    return %c0_i32, %c0_i32_0 : i32, i32
  }
  func.func @transform_4(%arg0: i32) -> (i32, i32) {
    %c0_i32 = arith.constant 0 : i32
    %c0_i32_0 = arith.constant 0 : i32
    %c0_i32_1 = arith.constant 0 : i32
    return %c0_i32, %c0_i32_0 : i32, i32
  }
  func.func @transform_5(%arg0: i32) -> (i32, i32) {
    %c0_i32 = arith.constant 0 : i32
    %c0_i32_0 = arith.constant 0 : i32
    return %arg0, %c0_i32 : i32, i32
  }
  func.func @transform_6(%arg0: i32) -> (i32, i32) {
    %c0_i32 = arith.constant 0 : i32
    %c0_i32_0 = arith.constant 0 : i32
    return %arg0, %c0_i32 : i32, i32
  }
  func.func @transform_7(%arg0: i32) -> (i32, i32) {
    %c0_i32 = arith.constant 0 : i32
    %c0_i32_0 = arith.constant 0 : i32
    return %arg0, %c0_i32 : i32, i32
  }
}

module attributes {stable_mosaic.version = 14 : i64} {
  func.func @_tc_transpose_body(%arg0: i32, %arg1: i32, %arg2: memref<1x3456x64xf32, #tpu.memory_space<vmem>>, %arg3: memref<1x64x3456xf32, #tpu.memory_space<vmem>>) attributes {dimension_semantics = [#tpu.dimension_semantics<arbitrary>, #tpu.dimension_semantics<arbitrary>], iteration_bounds = array<i64: 4, 62>, scalar_prefetch = 0 : i64, scratch_operands = 0 : i64, tpu.core_type = #tpu.core_type<tc>, window_params = [{transform_indices = @transform_0, window_bounds = array<i64: 1, 3456, 64>}, {transform_indices = @transform_1, window_bounds = array<i64: 1, 64, 3456>}]} {
    %get3A = arith.constant 0 : index
    %get3A_0 = arith.constant 0 : index
    %get3A_1 = arith.constant 0 : index
    %get3A_2 = vector.load %arg2[%get3A, %get3A_0, %get3A_1] : memref<1x3456x64xf32, #tpu.memory_space<vmem>>, vector<1x3456x64xf32>
    %transpose3A = tpu.transpose %get3A_2, [0, 2, 1] : vector<1x3456x64xf32> -> vector<1x64x3456xf32>
    %swap3A = arith.constant 0 : index
    %swap3A_3 = arith.constant 0 : index
    %swap3A_4 = arith.constant 0 : index
    %swap3A_5 = vector.load %arg3[%swap3A, %swap3A_3, %swap3A_4] : memref<1x64x3456xf32, #tpu.memory_space<vmem>>, vector<1x64x3456xf32>
    tpu.vector_store %arg3[%swap3A, %swap3A_3, %swap3A_4], %transpose3A {strides = array<i32>} : memref<1x64x3456xf32, #tpu.memory_space<vmem>>, vector<1x64x3456xf32>,
    return
  }
  func.func @transform_0(%arg0: i32, %arg1: i32) -> (i32, i32, i32) {
    %c0_i32 = arith.constant 0 : i32
    %c0_i32_0 = arith.constant 0 : i32
    return %arg0, %arg1, %c0_i32 : i32, i32, i32
  }
  func.func @transform_1(%arg0: i32, %arg1: i32) -> (i32, i32, i32) {
    %c0_i32 = arith.constant 0 : i32
    %c0_i32_0 = arith.constant 0 : i32
    return %arg0, %c0_i32, %arg1 : i32, i32, i32
  }
}

</mosaic_0001>

<sc_bundles>
// kernel: kernel.11.cloned.1.call-start
scs
__scs_entry_jumppad:
0x0: {  	(pc) =	sbr.rel $0x88, $3  }
0x1: {  	(tag) =	ssettag $0x0;
	lr =	simm.s32 $0x1  }
0x2: {  	[smem:$0x3F9A] =	sst lr;
	_ =	strace $0xD0000000  }
0x3: {  	_ = 	snop  }
0x4: {  	_ = 	snop  }
0x5: {  	_ = 	snop  }
0x6: {  	_ = 	snop  }
0x7: {  	_ = 	snop  }
__scs_overlays_trampoline_lowered:
0x8: {  	[smem:$0x3FA9] =	sst s0  }
0x9: {  	[smem:$0x3FAA] =	sst s1  }
0xa: {  	[smem:$0x3FAB] =	sst s2  }
0xb: {  	[smem:$0x3FAC] =	sst s3  }
0xc: {  	[smem:$0x3FAD] =	sst s4  }
0xd: {  	[smem:$0x3FAE] =	sst s5  }
0xe: {  	[smem:$0x3FAF] =	sst s6  }
0xf: {  	[smem:$0x3FB0] =	sst s7  }
0x10: {  	[smem:$0x3FB1] =	sst s8  }
0x11: {  	[smem:$0x3FB2] =	sst s9;
	s0 =	simm.s32 @!p0 $0x0  }
0x12: {  	s1 =	sld [smem:$0x3F98];
	s0 =	simm.s32 @p0 $0x1  }
0x13: {  	[smem:$0x3FB3] =	sst s0;
	s0 =	simm.s32 @!p1 $0x0  }
0x14: {  	s2 =	sld [smem:$0x3F97];
	s0 =	simm.s32 @p1 $0x1  }
0x15: {  	[smem:$0x3FB4] =	sst s0;
	s0 =	simm.s32 @!p2 $0x0  }
0x16: {  	s3 =	sld [smem:$0x3FDB];
	s0 =	simm.s32 @p2 $0x1  }
0x17: {  	s4 =	simm.s32 $0x1BF5;
	[smem:$0x3FB6] =	sst s0  }
0x18: {  	s0 =	sld [smem:$0x3F99];
	_ =	swait.ge [sflag:s4], $0x0  }
0x19: {  	s7 =	sld [smem:$0x3F9A]  }
0x1a: {  	s8 =	sadd.s32 $0xFFFFE003, lr  }
0x1b: {  	s9 =	sadd.s32 $0xFFFFFEF7, lr;
	s5 =	simm.s32 $0xFFFFFFFF;
	p2 =	slt.u32 s8, $0xFFFFF086  }
0x1c: {  	p1 =	slt.u32 s9, $0xF7A;
	s5 =	simm.s32 @!p2 $0x0  }
0x1d: {  	s5 =	simm.s32 @p1 $0x1;
	p0 =	seq.s32 s7, s2  }
0x1e: {  	s7 =	smul.u32 @!p0 $0xF7A, s2;
	p2 =	seq.s32 @!p0 s5, $0x0  }
0x1f: {  	s9 =	smul.u32 $0xF7A, s1;
	s8 =	simm.s32 @!p0 $0x1BF5;
	p2 =	por !p2, p0  }
0x20: {  	[sflag:s8] =	ssyncset.s32 @!p0 $0xFFFFF086;
	s6 =	sadd.s32 @!p0 s3, s7;
	s7 =	simm.s32 @!p0 $0x108  }
0x21: {  	s3 =	sadd.s32 s3, s9;
	s6 =	sadd.s32 @!p0 $0x88, s6;
	s7 =	simm.s32 @p2 $0x1082  }
0x22: {  	[simem:s7], [sflag:s8] =	dma.local @!p0 [hbm:s6], $0xF7A  }
0x23: {  	s9 =	sor.u32 $0xD0000000, s2;
	s6 =	simm.s32 $0x108;
	_ =	swait.ge @!p0 [sflag:s8], $0x0  }
0x24: {  	s3 =	sadd.s32 $0x88, s3;
	s6 =	simm.s32 @!p1 $0x1082;
	[sflag:s4] =	ssyncset.s32 $0xFFFFF086  }
0x25: {  	[simem:s6], [sflag:s4] =	dma.local [hbm:s3], $0xF7A  }
0x26: {  	[smem:$0x3F9A] =	sst s1;
	(tag) =	ssettag s2;
	_ =	strace s9  }
0x27: {  	s1 =	sld [smem:$0x3FAA]  }
0x28: {  	s2 =	sld [smem:$0x3FAB]  }
0x29: {  	s4 =	sld [smem:$0x3FAD]  }
0x2a: {  	p0 =	seq.s32 s5, $0x0;
	s5 =	sld [smem:$0x3FAE]  }
0x2b: {  	s6 =	sld [smem:$0x3FAF]  }
0x2c: {  	s7 =	sld [smem:$0x3FB0]  }
0x2d: {  	s3 =	simm.s32 $0x108;
	s8 =	sld [smem:$0x3FB1]  }
0x2e: {  	s3 =	simm.s32 @!p0 $0x1082;
	s9 =	sld [smem:$0x3FB2]  }
0x2f: {  	lr =	sadd.s32 s0, s3;
	s0 =	sld [smem:$0x3FA9]  }
0x30: {  	s3 =	sld [smem:$0x3FAC]  }
0x31: {  	[smem:$0x3FB5] =	sst s10  }
0x32: {  	s10 =	sld [smem:$0x3FB3];
	_ =	sdelay $0x3  }
0x33: {  	p0 =	seq.s32 s10, $0x1;
	s10 =	sld [smem:$0x3FB5];
	_ =	sdelay $0x3  }
0x34: {  	[smem:$0x3FB5] =	sst s10  }
0x35: {  	s10 =	sld [smem:$0x3FB4];
	_ =	sdelay $0x3  }
0x36: {  	p1 =	seq.s32 s10, $0x1;
	s10 =	sld [smem:$0x3FB5];
	_ =	sdelay $0x3  }
0x37: {  	[smem:$0x3FB5] =	sst s10  }
0x38: {  	s10 =	sld [smem:$0x3FB6]  }
0x39: {  	_ = 	snop;
	(pc) =	sbr.ind lr, $3  }
0x3a: {  	_ = 	snop  }
0x3b: {  	_ = 	snop  }
0x3c: {  	p2 =	seq.s32 s10, $0x1;
	s10 =	sld [smem:$0x3FB5]  }
0x3d: {  	_ =	shalt  }
0x3e: {  	_ =	shalt  }
0x3f: {  	_ =	shalt  }
0x40: {  	_ =	shalt  }
0x41: {  	_ =	shalt  }
0x42: {  	_ =	shalt  }
0x43: {  	_ =	shalt  }
0x44: {  	_ =	shalt  }
0x45: {  	_ =	shalt  }
0x46: {  	_ =	shalt  }
0x47: {  	_ =	shalt  }
0x48: {  	_ =	shalt  }
0x49: {  	_ =	shalt  }
0x4a: {  	_ =	shalt  }
0x4b: {  	_ =	shalt  }
0x4c: {  	_ =	shalt  }
0x4d: {  	_ =	shalt  }
0x4e: {  	_ =	shalt  }
0x4f: {  	_ =	shalt  }
0x50: {  	_ =	shalt  }
0x51: {  	_ =	shalt  }
0x52: {  	_ =	shalt  }
0x53: {  	_ =	shalt  }
0x54: {  	_ =	shalt  }
0x55: {  	_ =	shalt  }
0x56: {  	_ =	shalt  }
0x57: {  	_ =	shalt  }
0x58: {  	_ =	shalt  }
0x59: {  	_ =	shalt  }
0x5a: {  	_ =	shalt  }
0x5b: {  	_ =	shalt  }
0x5c: {  	_ =	shalt  }
0x5d: {  	_ =	shalt  }
0x5e: {  	_ =	shalt  }
0x5f: {  	_ =	shalt  }
0x60: {  	_ =	shalt  }
0x61: {  	_ =	shalt  }
0x62: {  	_ =	shalt  }
0x63: {  	_ =	shalt  }
0x64: {  	_ =	shalt  }
0x65: {  	_ =	shalt  }
0x66: {  	_ =	shalt  }
0x67: {  	_ =	shalt  }
0x68: {  	_ =	shalt  }
0x69: {  	_ =	shalt  }
0x6a: {  	_ =	shalt  }
0x6b: {  	_ =	shalt  }
0x6c: {  	_ =	shalt  }
0x6d: {  	_ =	shalt  }
0x6e: {  	_ =	shalt  }
0x6f: {  	_ =	shalt  }
0x70: {  	_ =	shalt  }
0x71: {  	_ =	shalt  }
0x72: {  	_ =	shalt  }
0x73: {  	_ =	shalt  }
0x74: {  	_ =	shalt  }
0x75: {  	_ =	shalt  }
0x76: {  	_ =	shalt  }
0x77: {  	_ =	shalt  }
0x78: {  	_ =	shalt  }
0x79: {  	_ =	shalt  }
0x7a: {  	_ =	shalt  }
0x7b: {  	_ =	shalt  }
0x7c: {  	_ =	shalt  }
0x7d: {  	_ =	shalt  }
0x7e: {  	_ =	shalt  }
0x7f: {  	_ =	shalt  }
0x80: {  	_ =	shalt  }
0x81: {  	_ =	shalt  }
0x82: {  	_ =	shalt  }
0x83: {  	_ =	shalt  }
0x84: {  	_ =	shalt  }
0x85: {  	_ =	shalt  }
0x86: {  	_ =	shalt  }
0x87: {  	_ =	shalt  }
.Lfunc_end0:
.L_simem_size_0:
called_computation.2_lowered:
.L_overlay_start_0:
0x88: {  	s2 =	sld [smem:$0x3FD9]  }
0x89: {  	s3 =	sld [smem:$0x3FFE];
	_ =	sdelay $0x1  }
0x8a: {  	s1 =	srdreg.scid  }
0x8b: {  	s0 =	sand.u32 $0x1, s1  }
0x8c: {  	s17 =	sshll.u32 s0, $0xA;
	s2 =	sadd.s32 s3, s2  }
0x8d: {  	s2 =	sadd.s32 s2, s17  }
0x8e: {  	[smem:$0x3FC1] =	sst s2  }
0x8f: {  	_ = 	snop  }
0x90: {  	s2 =	sld [smem:$0x3FD0];
	(tm) =	ssettm $0x1  }
0x91: {  	s18 =	sld [smem:$0x3FFB];
	_ =	sdelay $0x3  }
0x92: {  	_ =	strace s18  }
0x93: {  	s3 =	sld [smem:$0x3FFC];
	_ =	sdelay $0x3  }
0x94: {  	_ =	strace s3  }
0x95: {  	s3 =	sld [smem:$0x3FFD];
	_ =	sdelay $0x3  }
0x96: {  	_ =	strace s3  }
0x97: {  	_ =	strace $0x8FFFFFFF  }
0x98: {  	s19 =	sld [smem:$0x3FDB];
	_ =	sdelay $0x1  }
0x99: {  	s4 =	simm.s32 $_scs_section_size  }
0x9a: {  	s5 =	simm.s32 $_size__tile_overlayer_lowered;
	s6 =	simm.s32 $_tile_overlayer_lowered  }
0x9b: {  	s22 =	simm.s32 $0x1BFF;
	s21 =	sshll.u32 s6, $0x1;
	s3 =	sadd.s32 s4, s19  }
0x9c: {  	s7 =	simm.s32 $0x0;
	s20 =	sshll.u32 s5, $0x1;
	s5 =	sadd.s32 s21, s3  }
0x9d: {  	[timem:s7], [sflag:s22] =	dma.local [hbm:s5], s20  }
0x9e: {  	_ =	swait.ge [sflag:s22], s20  }
0x9f: {  	s4 =	ssub.s32 $0x0, s20;
	[sflag:s22] =	ssyncset.done $0x0  }
0xa0: {  	[sflag:s22] =	ssyncadd.s32 s4;
	_ =	sdelay $0x1  }
0xa1: {  	s23 =	simm.s32 $0x1B8B  }
0xa2: {  	_ =	swait.ge [sflag:s23], $0x1  }
0xa3: {  	[sflag:s23] =	ssyncset.done $0x0  }
0xa4: {  	s25 =	simm.s32 $0x1B8E;
	s24 =	sld [smem:$0x3FFE];
	[sflag:s23] =	ssyncadd.s32 $0xFFFFFFFF  }
0xa5: {  	s26 =	simm.s32 $execute0_lowered;
	[smem:$0x3FD2] =	sst s25  }
0xa6: {  	s5 =	sshll.u32 s26, $0x1;
	_ =	strace $0x80000049;
	[dreg:$0x1] =	wrdreg $0xFFFFFFFF  }
0xa7: {  	s28 =	simm.s32 $_size_execute0_lowered;
	s3 =	sadd.s32 s3, s5;
	[dreg:$0x0] =	wrdreg $0x0  }
0xa8: {  	s5 =	sshll.u32 s28, $0x1;
	[dreg:$0x2] =	wrdreg s3  }
0xa9: {  	[dreg:$0x3] =	wrdreg s5  }
0xaa: {  	[dreg:$0x4] =	wrdreg $0xC0  }
0xab: {  	_ =	task [dreg:s7], $0x5FFFF  }
0xac: {  	[dreg:$0x1] =	wrdreg $0xFFFFFFFF  }
0xad: {  	[dreg:$0x0] =	wrdreg $0x60  }
0xae: {  	[dreg:$0x2] =	wrdreg s2  }
0xaf: {  	[dreg:$0x3] =	wrdreg s24  }
0xb0: {  	[dreg:$0x4] =	wrdreg $0x9  }
0xb1: {  	_ =	task.clear_ibuf [dreg:s7], $0x5FFFF;
	_ =	strace $0x90000049  }
0xb2: {  	s29 =	simm.s32 $0x9;
	_ =	strace $0x8000004B  }
0xb3: {  	_ =	swait.ge [sflag:s29], $0x1  }
0xb4: {  	[sflag:s29] =	ssyncadd.s32 $0xFFFFFFFF  }
0xb5: {  	_ =	strace $0x9000004B  }
0xb6: {  	_ =	sfence  }
0xb7: {  	s30 =	sld [smem:$0x0];
	_ =	sdelay $0x2  }
0xb8: {  	s31 =	sshll.u32 s1, $0xD;
	s1 =	sshrl.u32 s1, $0x2  }
0xb9: {  	s3 =	sand.u32 $0x4000, s31;
	s1 =	sadd.s32 s1, s30  }
0xba: {  	s0 =	sor.u32 s3, s0;
	s1 =	sshll.u32 s1, $0x11  }
0xbb: {  	s0 =	sor.u32 s1, s0  }
0xbc: {  	s0 =	sadd.s32 $0x8F2B, s0  }
0xbd: {  	[sflag:s0] =	ssyncadd.remote.s32 $0x1  }
0xbe: {  	_ =	sfence.sel $0xFFFF  }
0xbf: {  	[dreg:$0x0] =	wrdreg $0xFFFFFFFF;
	(pc) =	sbr.abs _section_cstart, $3  }
0xc0: {  	[dreg:$0x1] =	wrdreg $0xFFFFFFFF  }
0xc1: {  	_ =	task.clear_ibuf [dreg:s7], $0x2FFFF;
	_ =	strace $0x9FFFFFFF  }
0xc2: {  	(tm) =	ssettm $0x7FFFFFFF  }
0xc3: {  	_ =	shalt  }
tec
execute0_lowered:
.L_overlay_start_1:
0x0: {  	(tag) =	ssettag $0x1  }
0x1: {  	s1 =	srdreg.scid;
	s0 =	stileid.u32  }
0x2: {  	s2 =	rddreg [dreg:$0x0];
	s3 =	sand.u32 $0x1, s1;
	s31 =	sshll.u32 s0, $0x1  }
0x3: {  	s4 =	rddreg [dreg:$0x1];
	s1 =	sor.u32 s3, s31;
	s5 =	ssub.s32 $0x2, s3  }
0x4: {  	s3 =	simm.s32 $0x0;
	s6 =	smul.u32 $0x68A0, s1;
	s1 =	rddreg [dreg:$0x2]  }
0x5: {  	s8 =	sshrl.u32 s5, $0x1;
	[smem:$0x7FF] =	sst s3  }
0x6: {  	s5 =	ssub.s32 s5, s8;
	_ =	strace $0x8000004A;
	s7 =	sshrl.u32 s6, $0x3  }
0x7: {  	s8 =	simm.s32 $0x0;
	s5 =	smax.u32 s5, $0x1;
	s4 =	sadd.s32 s7, s4  }
0x8: {  	v1 =	vimm.s32 $0xFA00;
	v2 =	vlaneseq.u32;
	v0 =	vmov s6;
	s6 =	simm.s32 $0x68A0;
	s7 =	simm.s32 $0x1;
	s4 =	sadd.s32 $0x1800, s4  }
.LBB2_1:
0x9: {  	[tilespmem:s6], [sflag:$0x1] =	stream.linear.gather [hbm4b:s2+s3], $0xFA00, $0x38;
	[tilespmem:$0x162A0] =	vst v63  }
0xa: {  	_ =	swait.ge [sflag:s7], $0xFA00  }
0xb: {  	[sflag:s7] =	ssyncset.done $0x0  }
0xc: {  	s9 =	simm.s32 $0x0;
	[sflag:s7] =	ssyncadd.s32 $0xFFFF0600  }
.LBB2_2:
0xd: {  	p0 =	sne.s32 s9, $0x1A240  }
.Ltmp0:
0xe: {  	_ = 	snop;
	(pc) =	sbr.rel @p0 .LBB2_2-.Ltmp0, $3  }
0xf: {  	_ =	sdelay $0x1  }
0x10: {  	s10 =	sshra.s32 s9, $0x2  }
0x11: {  	s9 =	sadd.s32 $0x40, s9;
	[tilespmem:s10+$0x0] =	vst v1  }
0x12: {  	s10 =	simm.s32 $0x68A0  }
0x13: {  	s9 =	simm.s32 $0x0;
	s11 =	simm.s32 $0x10;
	v3 =	vld [tilespmem:s10+$0x0]  }
.LBB2_4:
0x14: {  	p0 =	sne.s32 s11, $0xF9F0;
	_ =	sdelay $0x3  }
0x15: {  	v4 =	vsub.s32 v3, v0  }
0x16: {  	v3 =	vand.u32 $0x7, v3;
	vm0 =	vlt.u32 v4, $0x68A0;
	v4 =	vand.u32 $0xFFFFFFF8, v4  }
0x17: {  	v3 =	vor.u32 v3, v4;
	_ =	sdelay $0x1  }
.Ltmp1:
0x18: {  	(pc) =	sbr.rel @p0 .LBB2_4-.Ltmp1, $4  }
0x19: {  	_ = 	snop  }
0x1a: {  	v4 =	vor.u32 s9, v2;
	s9 =	smov.u32 s11  }
0x1b: {  	s10 =	sadd.s32 $0x10, s10;
	[tilespmem:v3+s3+$0x0] =	vst.idx.msk vm0, v4  }
0x1c: {  	s11 =	sadd.s32 $0x10, s11;
	v3 =	vld [tilespmem:s10+$0x0]  }
0x1d: {  	_ =	sdelay $0x3  }
0x1e: {  	v4 =	vsub.s32 v3, v0  }
0x1f: {  	v3 =	vand.u32 $0x7, v3;
	vm0 =	vlt.u32 v4, $0x68A0;
	v4 =	vand.u32 $0xFFFFFFF8, v4  }
0x20: {  	v3 =	vor.u32 v3, v4;
	_ =	sdelay $0x2  }
0x21: {  	s8 =	sadd.s32 $0x1, s8  }
0x22: {  	v63 =	vor.u32 s9, v2;
	p0 =	sne.s32 s8, s5  }
.Ltmp2:
0x23: {  	[tilespmem:v3+s3+$0x0] =	vst.idx.msk vm0, v63;
	(pc) =	sbr.rel @p0 .LBB2_1-.Ltmp2, $4  }
0x24: {  	[hbm4b:s4+s3] =	stream.linear.scatter [tilespmem:s3], [sflag:$0x1], $0x68A0, $0x38;
	[tilespmem:$0x162A0] =	vst v63  }
0x25: {  	_ =	swait.ge [sflag:s7], $0x68A0  }
0x26: {  	[sflag:s7] =	ssyncset.done $0x0  }
0x27: {  	[sflag:s7] =	ssyncadd.s32 $0xFFFF9760  }
0x28: {  	_ =	sfence.sel $0x180000  }
0x29: {  	[bflag:$0x0] =	sbarrier.arrive $0xFFFF  }
0x2a: {  	p0 =	sne.s32 s0, $0x0;
	_ =	strace $0x9000004A  }
0x2b: {  	s0 =	sadd.s32 @!p0 $0x100000, s1;
	[bflag:$0x2] =	sbarrier.arrive $0xFFFF  }
0x2c: {  	[sflag:s0] =	ssyncadd.tile.s32 @!p0 $0x1;
	_ =	shalt  }
.Lfunc_end2:
_tile_overlayer_lowered:
.L_overlay_start_2:
0x2d: {  	(tag) =	ssettag $0x2  }
0x2e: {  	s0 =	rddreg [dreg:$0x0];
	s2 =	stileid.u32  }
0x2f: {  	s1 =	rddreg [dreg:$0x1];
	p0 =	sne.s32 s2, $0x0  }
0x30: {  	s3 =	rddreg [dreg:$0x2];
	[bflag:$0x3] =	sbarrier.arrive $0xFFFF;
	s2 =	simm.s32 @!p0 $0x1C01  }
0x31: {  	[timem:s3], [sflag:s2] =	dma.local @!p0 [hbm:s0], s1  }
0x32: {  	s0 =	simm.s32 @!p0 $0x1  }
0x33: {  	_ =	swait.ge @!p0 [sflag:s0], s1  }
0x34: {  	s1 =	ssub.s32 @!p0 $0x0, s1;
	[sflag:s0] =	ssyncset.done @!p0 $0x0  }
0x35: {  	[sflag:s0] =	ssyncadd.s32 @!p0 s1  }
0x36: {  	[bflag:$0x3] =	sbarrier.arrive $0xFFFF  }
0x37: {  	_ =	shalt  }

// kernel: kernel.14.cloned.1.call-start
scs
__scs_entry_jumppad:
0x0: {  	(pc) =	sbr.rel $0x88, $3  }
0x1: {  	(tag) =	ssettag $0x0;
	lr =	simm.s32 $0x1  }
0x2: {  	[smem:$0x3F9A] =	sst lr;
	_ =	strace $0xD0000000  }
0x3: {  	_ = 	snop  }
0x4: {  	_ = 	snop  }
0x5: {  	_ = 	snop  }
0x6: {  	_ = 	snop  }
0x7: {  	_ = 	snop  }
__scs_overlays_trampoline_lowered:
0x8: {  	[smem:$0x3FA9] =	sst s0  }
0x9: {  	[smem:$0x3FAA] =	sst s1  }
0xa: {  	[smem:$0x3FAB] =	sst s2  }
0xb: {  	[smem:$0x3FAC] =	sst s3  }
0xc: {  	[smem:$0x3FAD] =	sst s4  }
0xd: {  	[smem:$0x3FAE] =	sst s5  }
0xe: {  	[smem:$0x3FAF] =	sst s6  }
0xf: {  	[smem:$0x3FB0] =	sst s7  }
0x10: {  	[smem:$0x3FB1] =	sst s8  }
0x11: {  	[smem:$0x3FB2] =	sst s9;
	s0 =	simm.s32 @!p0 $0x0  }
0x12: {  	s1 =	sld [smem:$0x3F98];
	s0 =	simm.s32 @p0 $0x1  }
0x13: {  	[smem:$0x3FB3] =	sst s0;
	s0 =	simm.s32 @!p1 $0x0  }
0x14: {  	s2 =	sld [smem:$0x3F97];
	s0 =	simm.s32 @p1 $0x1  }
0x15: {  	[smem:$0x3FB4] =	sst s0;
	s0 =	simm.s32 @!p2 $0x0  }
0x16: {  	s3 =	sld [smem:$0x3FDB];
	s0 =	simm.s32 @p2 $0x1  }
0x17: {  	s4 =	simm.s32 $0x1BF5;
	[smem:$0x3FB6] =	sst s0  }
0x18: {  	s0 =	sld [smem:$0x3F99];
	_ =	swait.ge [sflag:s4], $0x0  }
0x19: {  	s7 =	sld [smem:$0x3F9A]  }
0x1a: {  	s8 =	sadd.s32 $0xFFFFE003, lr  }
0x1b: {  	s9 =	sadd.s32 $0xFFFFFEF7, lr;
	s5 =	simm.s32 $0xFFFFFFFF;
	p2 =	slt.u32 s8, $0xFFFFF086  }
0x1c: {  	p1 =	slt.u32 s9, $0xF7A;
	s5 =	simm.s32 @!p2 $0x0  }
0x1d: {  	s5 =	simm.s32 @p1 $0x1;
	p0 =	seq.s32 s7, s2  }
0x1e: {  	s7 =	smul.u32 @!p0 $0xF7A, s2;
	p2 =	seq.s32 @!p0 s5, $0x0  }
0x1f: {  	s9 =	smul.u32 $0xF7A, s1;
	s8 =	simm.s32 @!p0 $0x1BF5;
	p2 =	por !p2, p0  }
0x20: {  	[sflag:s8] =	ssyncset.s32 @!p0 $0xFFFFF086;
	s6 =	sadd.s32 @!p0 s3, s7;
	s7 =	simm.s32 @!p0 $0x108  }
0x21: {  	s3 =	sadd.s32 s3, s9;
	s6 =	sadd.s32 @!p0 $0x88, s6;
	s7 =	simm.s32 @p2 $0x1082  }
0x22: {  	[simem:s7], [sflag:s8] =	dma.local @!p0 [hbm:s6], $0xF7A  }
0x23: {  	s9 =	sor.u32 $0xD0000000, s2;
	s6 =	simm.s32 $0x108;
	_ =	swait.ge @!p0 [sflag:s8], $0x0  }
0x24: {  	s3 =	sadd.s32 $0x88, s3;
	s6 =	simm.s32 @!p1 $0x1082;
	[sflag:s4] =	ssyncset.s32 $0xFFFFF086  }
0x25: {  	[simem:s6], [sflag:s4] =	dma.local [hbm:s3], $0xF7A  }
0x26: {  	[smem:$0x3F9A] =	sst s1;
	(tag) =	ssettag s2;
	_ =	strace s9  }
0x27: {  	s1 =	sld [smem:$0x3FAA]  }
0x28: {  	s2 =	sld [smem:$0x3FAB]  }
0x29: {  	s4 =	sld [smem:$0x3FAD]  }
0x2a: {  	p0 =	seq.s32 s5, $0x0;
	s5 =	sld [smem:$0x3FAE]  }
0x2b: {  	s6 =	sld [smem:$0x3FAF]  }
0x2c: {  	s7 =	sld [smem:$0x3FB0]  }
0x2d: {  	s3 =	simm.s32 $0x108;
	s8 =	sld [smem:$0x3FB1]  }
0x2e: {  	s3 =	simm.s32 @!p0 $0x1082;
	s9 =	sld [smem:$0x3FB2]  }
0x2f: {  	lr =	sadd.s32 s0, s3;
	s0 =	sld [smem:$0x3FA9]  }
0x30: {  	s3 =	sld [smem:$0x3FAC]  }
0x31: {  	[smem:$0x3FB5] =	sst s10  }
0x32: {  	s10 =	sld [smem:$0x3FB3];
	_ =	sdelay $0x3  }
0x33: {  	p0 =	seq.s32 s10, $0x1;
	s10 =	sld [smem:$0x3FB5];
	_ =	sdelay $0x3  }
0x34: {  	[smem:$0x3FB5] =	sst s10  }
0x35: {  	s10 =	sld [smem:$0x3FB4];
	_ =	sdelay $0x3  }
0x36: {  	p1 =	seq.s32 s10, $0x1;
	s10 =	sld [smem:$0x3FB5];
	_ =	sdelay $0x3  }
0x37: {  	[smem:$0x3FB5] =	sst s10  }
0x38: {  	s10 =	sld [smem:$0x3FB6]  }
0x39: {  	_ = 	snop;
	(pc) =	sbr.ind lr, $3  }
0x3a: {  	_ = 	snop  }
0x3b: {  	_ = 	snop  }
0x3c: {  	p2 =	seq.s32 s10, $0x1;
	s10 =	sld [smem:$0x3FB5]  }
0x3d: {  	_ =	shalt  }
0x3e: {  	_ =	shalt  }
0x3f: {  	_ =	shalt  }
0x40: {  	_ =	shalt  }
0x41: {  	_ =	shalt  }
0x42: {  	_ =	shalt  }
0x43: {  	_ =	shalt  }
0x44: {  	_ =	shalt  }
0x45: {  	_ =	shalt  }
0x46: {  	_ =	shalt  }
0x47: {  	_ =	shalt  }
0x48: {  	_ =	shalt  }
0x49: {  	_ =	shalt  }
0x4a: {  	_ =	shalt  }
0x4b: {  	_ =	shalt  }
0x4c: {  	_ =	shalt  }
0x4d: {  	_ =	shalt  }
0x4e: {  	_ =	shalt  }
0x4f: {  	_ =	shalt  }
0x50: {  	_ =	shalt  }
0x51: {  	_ =	shalt  }
0x52: {  	_ =	shalt  }
0x53: {  	_ =	shalt  }
0x54: {  	_ =	shalt  }
0x55: {  	_ =	shalt  }
0x56: {  	_ =	shalt  }
0x57: {  	_ =	shalt  }
0x58: {  	_ =	shalt  }
0x59: {  	_ =	shalt  }
0x5a: {  	_ =	shalt  }
0x5b: {  	_ =	shalt  }
0x5c: {  	_ =	shalt  }
0x5d: {  	_ =	shalt  }
0x5e: {  	_ =	shalt  }
0x5f: {  	_ =	shalt  }
0x60: {  	_ =	shalt  }
0x61: {  	_ =	shalt  }
0x62: {  	_ =	shalt  }
0x63: {  	_ =	shalt  }
0x64: {  	_ =	shalt  }
0x65: {  	_ =	shalt  }
0x66: {  	_ =	shalt  }
0x67: {  	_ =	shalt  }
0x68: {  	_ =	shalt  }
0x69: {  	_ =	shalt  }
0x6a: {  	_ =	shalt  }
0x6b: {  	_ =	shalt  }
0x6c: {  	_ =	shalt  }
0x6d: {  	_ =	shalt  }
0x6e: {  	_ =	shalt  }
0x6f: {  	_ =	shalt  }
0x70: {  	_ =	shalt  }
0x71: {  	_ =	shalt  }
0x72: {  	_ =	shalt  }
0x73: {  	_ =	shalt  }
0x74: {  	_ =	shalt  }
0x75: {  	_ =	shalt  }
0x76: {  	_ =	shalt  }
0x77: {  	_ =	shalt  }
0x78: {  	_ =	shalt  }
0x79: {  	_ =	shalt  }
0x7a: {  	_ =	shalt  }
0x7b: {  	_ =	shalt  }
0x7c: {  	_ =	shalt  }
0x7d: {  	_ =	shalt  }
0x7e: {  	_ =	shalt  }
0x7f: {  	_ =	shalt  }
0x80: {  	_ =	shalt  }
0x81: {  	_ =	shalt  }
0x82: {  	_ =	shalt  }
0x83: {  	_ =	shalt  }
0x84: {  	_ =	shalt  }
0x85: {  	_ =	shalt  }
0x86: {  	_ =	shalt  }
0x87: {  	_ =	shalt  }
.Lfunc_end0:
.L_simem_size_0:
called_computation.3_lowered:
.L_overlay_start_0:
0x88: {  	s2 =	sld [smem:$0x3FD9]  }
0x89: {  	s3 =	sld [smem:$0x3FFE];
	_ =	sdelay $0x1  }
0x8a: {  	s1 =	srdreg.scid  }
0x8b: {  	s0 =	sand.u32 $0x1, s1  }
0x8c: {  	s17 =	sshll.u32 s0, $0xA;
	s2 =	sadd.s32 s3, s2  }
0x8d: {  	s2 =	sadd.s32 s2, s17  }
0x8e: {  	[smem:$0x3FC1] =	sst s2  }
0x8f: {  	_ = 	snop  }
0x90: {  	s2 =	sld [smem:$0x3FD0];
	(tm) =	ssettm $0x1  }
0x91: {  	s18 =	sld [smem:$0x3FFB];
	_ =	sdelay $0x3  }
0x92: {  	_ =	strace s18  }
0x93: {  	s3 =	sld [smem:$0x3FFC];
	_ =	sdelay $0x3  }
0x94: {  	_ =	strace s3  }
0x95: {  	s3 =	sld [smem:$0x3FFD];
	_ =	sdelay $0x3  }
0x96: {  	_ =	strace s3  }
0x97: {  	_ =	strace $0x8FFFFFFF  }
0x98: {  	s19 =	sld [smem:$0x3FDB];
	_ =	sdelay $0x1  }
0x99: {  	s4 =	simm.s32 $_scs_section_size  }
0x9a: {  	s5 =	simm.s32 $_size__tile_overlayer_lowered;
	s6 =	simm.s32 $_tile_overlayer_lowered  }
0x9b: {  	s22 =	simm.s32 $0x1BFF;
	s21 =	sshll.u32 s6, $0x1;
	s3 =	sadd.s32 s4, s19  }
0x9c: {  	s7 =	simm.s32 $0x0;
	s20 =	sshll.u32 s5, $0x1;
	s5 =	sadd.s32 s21, s3  }
0x9d: {  	[timem:s7], [sflag:s22] =	dma.local [hbm:s5], s20  }
0x9e: {  	_ =	swait.ge [sflag:s22], s20  }
0x9f: {  	s4 =	ssub.s32 $0x0, s20;
	[sflag:s22] =	ssyncset.done $0x0  }
0xa0: {  	[sflag:s22] =	ssyncadd.s32 s4;
	_ =	sdelay $0x1  }
0xa1: {  	s23 =	simm.s32 $0x1B8B  }
0xa2: {  	_ =	swait.ge [sflag:s23], $0x1  }
0xa3: {  	[sflag:s23] =	ssyncset.done $0x0  }
0xa4: {  	s25 =	simm.s32 $0x1B8E;
	s24 =	sld [smem:$0x3FFE];
	[sflag:s23] =	ssyncadd.s32 $0xFFFFFFFF  }
0xa5: {  	s26 =	simm.s32 $execute0_lowered;
	[smem:$0x3FD2] =	sst s25  }
0xa6: {  	s5 =	sshll.u32 s26, $0x1;
	_ =	strace $0x8000004C;
	[dreg:$0x1] =	wrdreg $0xFFFFFFFF  }
0xa7: {  	s28 =	simm.s32 $_size_execute0_lowered;
	s3 =	sadd.s32 s3, s5;
	[dreg:$0x0] =	wrdreg $0x0  }
0xa8: {  	s5 =	sshll.u32 s28, $0x1;
	[dreg:$0x2] =	wrdreg s3  }
0xa9: {  	[dreg:$0x3] =	wrdreg s5  }
0xaa: {  	[dreg:$0x4] =	wrdreg $0xC0  }
0xab: {  	_ =	task [dreg:s7], $0x5FFFF  }
0xac: {  	[dreg:$0x1] =	wrdreg $0xFFFFFFFF  }
0xad: {  	[dreg:$0x0] =	wrdreg $0x60  }
0xae: {  	[dreg:$0x2] =	wrdreg s24  }
0xaf: {  	[dreg:$0x3] =	wrdreg s2  }
0xb0: {  	[dreg:$0x4] =	wrdreg $0x9  }
0xb1: {  	_ =	task.clear_ibuf [dreg:s7], $0x5FFFF;
	_ =	strace $0x9000004C  }
0xb2: {  	s29 =	simm.s32 $0x9;
	_ =	strace $0x8000004E  }
0xb3: {  	_ =	swait.ge [sflag:s29], $0x1  }
0xb4: {  	[sflag:s29] =	ssyncadd.s32 $0xFFFFFFFF  }
0xb5: {  	_ =	strace $0x9000004E  }
0xb6: {  	_ =	sfence  }
0xb7: {  	s30 =	sld [smem:$0x0];
	_ =	sdelay $0x2  }
0xb8: {  	s31 =	sshll.u32 s1, $0xD;
	s1 =	sshrl.u32 s1, $0x2  }
0xb9: {  	s3 =	sand.u32 $0x4000, s31;
	s1 =	sadd.s32 s1, s30  }
0xba: {  	s0 =	sor.u32 s3, s0;
	s1 =	sshll.u32 s1, $0x11  }
0xbb: {  	s0 =	sor.u32 s1, s0  }
0xbc: {  	s0 =	sadd.s32 $0x8F2B, s0  }
0xbd: {  	[sflag:s0] =	ssyncadd.remote.s32 $0x1  }
0xbe: {  	_ =	sfence.sel $0xFFFF  }
0xbf: {  	[dreg:$0x0] =	wrdreg $0xFFFFFFFF;
	(pc) =	sbr.abs _section_cstart, $3  }
0xc0: {  	[dreg:$0x1] =	wrdreg $0xFFFFFFFF  }
0xc1: {  	_ =	task.clear_ibuf [dreg:s7], $0x2FFFF;
	_ =	strace $0x9FFFFFFF  }
0xc2: {  	(tm) =	ssettm $0x7FFFFFFF  }
0xc3: {  	_ =	shalt  }
tec
execute0_lowered:
.L_overlay_start_1:
0x0: {  	(tag) =	ssettag $0x1  }
0x1: {  	s4 =	rddreg [dreg:$0x0]  }
0x2: {  	s5 =	rddreg [dreg:$0x1]  }
0x3: {  	s0 =	rddreg [dreg:$0x2]  }
0x4: {  	s3 =	srdreg.scid;
	s1 =	stileid.u32;
	s2 =	simm.s32 $0x0  }
0x5: {  	s12 =	simm.s32 $0x6820;
	s13 =	simm.s32 $0x0;
	s6 =	sand.u32 $0x1, s3  }
0x6: {  	s26 =	sshll.u32 s1, $0x1;
	[smem:$0x7FF] =	sst s2;
	s11 =	smul.u32 $0x68A00, s1  }
0x7: {  	s3 =	sadd.s32 $0x1BC00, s4;
	s7 =	sor.u32 s6, s26;
	s29 =	smul.u32 $0x34500, s6  }
0x8: {  	_ =	strace $0x8000004D;
	s9 =	ssub.s32 $0x2, s6;
	s8 =	smul.u32 $0x68A0, s7  }
0x9: {  	s7 =	smul.u32 $0x34500, s7;
	s10 =	sshrl.u32 s9, $0x1;
	s31 =	sadd.s32 s11, s5  }
0xa: {  	s11 =	simm.s32 $0x1;
	s28 =	ssub.s32 s9, s10;
	s9 =	simm.s32 $0x80  }
0xb: {  	s10 =	simm.s32 $0x68A0;
	s8 =	sshrl.u32 s8, $0x3;
	s30 =	sadd.s32 s5, s7  }
0xc: {  	s5 =	smax.u32 s28, $0x1;
	s7 =	sadd.s32 s29, s31;
	s4 =	sadd.s32 s8, s4  }
0xd: {  	s6 =	sadd.s32 $0x34100, s30;
	s8 =	simm.s32 $0x2;
	s4 =	sadd.s32 $0x1800, s4  }
.LBB2_1:
0xe: {  	[tilespmem:s2], [sflag:$0x2] =	stream.linear.gather [hbm4b:s4+s2], $0x68A0, $0x38;
	[tilespmem:$0x88A0] =	vst v63  }
0xf: {  	_ =	swait.ge [sflag:s8], $0x68A0  }
0x10: {  	[sflag:s8] =	ssyncset.done $0x0  }
0x11: {  	s14 =	simm.s32 $0x0;
	[sflag:s8] =	ssyncadd.s32 $0xFFFF9760  }
0x12: {  	[tilespmem:s10], [sflag:$0x1] =	stream.indirect.gather [hbm4b:s3+s9], $0x40, s14, s9, $0xb8;
	[tilespmem:$0x88A0] =	vst v63  }
0x13: {  	_ =	swait.ge [sflag:s11], $0x2000  }
0x14: {  	[sflag:s11] =	ssyncset.done $0x0  }
0x15: {  	[sflag:s11] =	ssyncadd.s32 $0xFFFFE000  }
0x16: {  	[hbm4b:s7+s2] =	stream.linear.scatter [tilespmem:s10], [sflag:$0x2], $0x2000, $0x38;
	[tilespmem:$0x88A0] =	vst v63  }
0x17: {  	s15 =	simm.s32 $0x200;
	_ =	swait.ge [sflag:s8], $0x2000  }
0x18: {  	s16 =	simm.s32 $0x400;
	s14 =	sadd.s32 $0x400, s7;
	[sflag:s8] =	ssyncset.done $0x0  }
.LBB2_2:
0x19: {  	s17 =	sshra.s32 s15, $0x2  }
0x1a: {  	[sflag:s8] =	ssyncadd.s32 $0xFFFFE000;
	s15 =	smov.u32 s16;
	s18 =	sadd.s32 $0x200, s16  }
0x1b: {  	[tilespmem:s10], [sflag:$0x1] =	stream.indirect.gather [hbm4b:s3+s9], $0x40, s17, s9, $0xb8;
	[tilespmem:$0x88A0] =	vst v63  }
0x1c: {  	p0 =	sne.s32 s16, $0x1A000;
	_ =	swait.ge [sflag:s11], $0x2000  }
.Ltmp0:
0x1d: {  	[sflag:s11] =	ssyncset.done $0x0;
	(pc) =	sbr.rel @p0 .LBB2_2-.Ltmp0, $4  }
0x1e: {  	[sflag:s11] =	ssyncadd.s32 $0xFFFFE000  }
0x1f: {  	[hbm4b:s14+s2] =	stream.linear.scatter [tilespmem:s10], [sflag:$0x2], $0x2000, $0x38;
	[tilespmem:$0x88A0] =	vst v63  }
0x20: {  	_ =	swait.ge [sflag:s8], $0x2000  }
0x21: {  	s16 =	smov.u32 s18;
	s14 =	sadd.s32 $0x400, s14;
	[sflag:s8] =	ssyncset.done $0x0  }
0x22: {  	s15 =	sshra.s32 s15, $0x2;
	[sflag:s8] =	ssyncadd.s32 $0xFFFFE000  }
0x23: {  	[tilespmem:s10], [sflag:$0x1] =	stream.indirect.gather [hbm4b:s3+s9], $0x40, s15, s9, $0xb8;
	[tilespmem:$0x88A0] =	vst v63  }
0x24: {  	_ =	swait.ge [sflag:s11], $0x2000  }
0x25: {  	[sflag:s11] =	ssyncset.done $0x0  }
0x26: {  	[sflag:s11] =	ssyncadd.s32 $0xFFFFE000  }
0x27: {  	[hbm4b:s14+s2] =	stream.linear.scatter [tilespmem:s10], [sflag:$0x2], $0x2000, $0x38;
	[tilespmem:$0x88A0] =	vst v63  }
0x28: {  	_ =	swait.ge [sflag:s8], $0x2000  }
0x29: {  	[sflag:s8] =	ssyncset.done $0x0  }
0x2a: {  	[sflag:s8] =	ssyncadd.s32 $0xFFFFE000  }
0x2b: {  	[tilespmem:s10], [sflag:$0x1] =	stream.indirect.gather [hbm4b:s3+s9], $0x40, s12, s9, $0xb8;
	[tilespmem:$0x88A0] =	vst v63  }
0x2c: {  	s13 =	sadd.s32 $0x1, s13;
	_ =	swait.ge [sflag:s11], $0x2000  }
0x2d: {  	p0 =	sne.s32 s13, s5;
	[sflag:s11] =	ssyncset.done $0x0  }
.Ltmp1:
0x2e: {  	[sflag:s11] =	ssyncadd.s32 $0xFFFFE000;
	(pc) =	sbr.rel @p0 .LBB2_1-.Ltmp1, $4  }
0x2f: {  	[hbm4b:s6+s2] =	stream.linear.scatter [tilespmem:s10], [sflag:$0x2], $0x2000, $0x38;
	[tilespmem:$0x88A0] =	vst v63  }
0x30: {  	_ =	swait.ge [sflag:s8], $0x2000  }
0x31: {  	[sflag:s8] =	ssyncset.done $0x0  }
0x32: {  	[sflag:s8] =	ssyncadd.s32 $0xFFFFE000  }
0x33: {  	_ =	sfence.sel $0x180000  }
0x34: {  	[bflag:$0x0] =	sbarrier.arrive $0xFFFF  }
0x35: {  	p0 =	sne.s32 s1, $0x0;
	_ =	strace $0x9000004D  }
0x36: {  	s0 =	sadd.s32 @!p0 $0x100000, s0;
	[bflag:$0x2] =	sbarrier.arrive $0xFFFF  }
0x37: {  	[sflag:s0] =	ssyncadd.tile.s32 @!p0 $0x1;
	_ =	shalt  }
.Lfunc_end2:
_tile_overlayer_lowered:
.L_overlay_start_2:
0x38: {  	(tag) =	ssettag $0x2  }
0x39: {  	s0 =	rddreg [dreg:$0x0];
	s2 =	stileid.u32  }
0x3a: {  	s1 =	rddreg [dreg:$0x1];
	p0 =	sne.s32 s2, $0x0  }
0x3b: {  	s3 =	rddreg [dreg:$0x2];
	[bflag:$0x3] =	sbarrier.arrive $0xFFFF;
	s2 =	simm.s32 @!p0 $0x1C02  }
0x3c: {  	[timem:s3], [sflag:s2] =	dma.local @!p0 [hbm:s0], s1  }
0x3d: {  	s0 =	simm.s32 @!p0 $0x2  }
0x3e: {  	_ =	swait.ge @!p0 [sflag:s0], s1  }
0x3f: {  	s1 =	ssub.s32 @!p0 $0x0, s1;
	[sflag:s0] =	ssyncset.done @!p0 $0x0  }
0x40: {  	[sflag:s0] =	ssyncadd.s32 @!p0 s1  }
0x41: {  	[bflag:$0x3] =	sbarrier.arrive $0xFFFF  }
0x42: {  	_ =	shalt  }

// kernel: kernel.8.cloned.1.call-start
scs
__scs_entry_jumppad:
0x0: {  	(pc) =	sbr.rel $0x88, $3  }
0x1: {  	(tag) =	ssettag $0x0;
	lr =	simm.s32 $0x1  }
0x2: {  	[smem:$0x3F9A] =	sst lr;
	_ =	strace $0xD0000000  }
0x3: {  	_ = 	snop  }
0x4: {  	_ = 	snop  }
0x5: {  	_ = 	snop  }
0x6: {  	_ = 	snop  }
0x7: {  	_ = 	snop  }
__scs_overlays_trampoline_lowered:
0x8: {  	[smem:$0x3FA9] =	sst s0  }
0x9: {  	[smem:$0x3FAA] =	sst s1  }
0xa: {  	[smem:$0x3FAB] =	sst s2  }
0xb: {  	[smem:$0x3FAC] =	sst s3  }
0xc: {  	[smem:$0x3FAD] =	sst s4  }
0xd: {  	[smem:$0x3FAE] =	sst s5  }
0xe: {  	[smem:$0x3FAF] =	sst s6  }
0xf: {  	[smem:$0x3FB0] =	sst s7  }
0x10: {  	[smem:$0x3FB1] =	sst s8  }
0x11: {  	[smem:$0x3FB2] =	sst s9;
	s0 =	simm.s32 @!p0 $0x0  }
0x12: {  	s1 =	sld [smem:$0x3F98];
	s0 =	simm.s32 @p0 $0x1  }
0x13: {  	[smem:$0x3FB3] =	sst s0;
	s0 =	simm.s32 @!p1 $0x0  }
0x14: {  	s2 =	sld [smem:$0x3F97];
	s0 =	simm.s32 @p1 $0x1  }
0x15: {  	[smem:$0x3FB4] =	sst s0;
	s0 =	simm.s32 @!p2 $0x0  }
0x16: {  	s3 =	sld [smem:$0x3FDB];
	s0 =	simm.s32 @p2 $0x1  }
0x17: {  	s4 =	simm.s32 $0x1BF5;
	[smem:$0x3FB6] =	sst s0  }
0x18: {  	s0 =	sld [smem:$0x3F99];
	_ =	swait.ge [sflag:s4], $0x0  }
0x19: {  	s7 =	sld [smem:$0x3F9A]  }
0x1a: {  	s8 =	sadd.s32 $0xFFFFE003, lr  }
0x1b: {  	s9 =	sadd.s32 $0xFFFFFEF7, lr;
	s5 =	simm.s32 $0xFFFFFFFF;
	p2 =	slt.u32 s8, $0xFFFFF086  }
0x1c: {  	p1 =	slt.u32 s9, $0xF7A;
	s5 =	simm.s32 @!p2 $0x0  }
0x1d: {  	s5 =	simm.s32 @p1 $0x1;
	p0 =	seq.s32 s7, s2  }
0x1e: {  	s7 =	smul.u32 @!p0 $0xF7A, s2;
	p2 =	seq.s32 @!p0 s5, $0x0  }
0x1f: {  	s9 =	smul.u32 $0xF7A, s1;
	s8 =	simm.s32 @!p0 $0x1BF5;
	p2 =	por !p2, p0  }
0x20: {  	[sflag:s8] =	ssyncset.s32 @!p0 $0xFFFFF086;
	s6 =	sadd.s32 @!p0 s3, s7;
	s7 =	simm.s32 @!p0 $0x108  }
0x21: {  	s3 =	sadd.s32 s3, s9;
	s6 =	sadd.s32 @!p0 $0x88, s6;
	s7 =	simm.s32 @p2 $0x1082  }
0x22: {  	[simem:s7], [sflag:s8] =	dma.local @!p0 [hbm:s6], $0xF7A  }
0x23: {  	s9 =	sor.u32 $0xD0000000, s2;
	s6 =	simm.s32 $0x108;
	_ =	swait.ge @!p0 [sflag:s8], $0x0  }
0x24: {  	s3 =	sadd.s32 $0x88, s3;
	s6 =	simm.s32 @!p1 $0x1082;
	[sflag:s4] =	ssyncset.s32 $0xFFFFF086  }
0x25: {  	[simem:s6], [sflag:s4] =	dma.local [hbm:s3], $0xF7A  }
0x26: {  	[smem:$0x3F9A] =	sst s1;
	(tag) =	ssettag s2;
	_ =	strace s9  }
0x27: {  	s1 =	sld [smem:$0x3FAA]  }
0x28: {  	s2 =	sld [smem:$0x3FAB]  }
0x29: {  	s4 =	sld [smem:$0x3FAD]  }
0x2a: {  	p0 =	seq.s32 s5, $0x0;
	s5 =	sld [smem:$0x3FAE]  }
0x2b: {  	s6 =	sld [smem:$0x3FAF]  }
0x2c: {  	s7 =	sld [smem:$0x3FB0]  }
0x2d: {  	s3 =	simm.s32 $0x108;
	s8 =	sld [smem:$0x3FB1]  }
0x2e: {  	s3 =	simm.s32 @!p0 $0x1082;
	s9 =	sld [smem:$0x3FB2]  }
0x2f: {  	lr =	sadd.s32 s0, s3;
	s0 =	sld [smem:$0x3FA9]  }
0x30: {  	s3 =	sld [smem:$0x3FAC]  }
0x31: {  	[smem:$0x3FB5] =	sst s10  }
0x32: {  	s10 =	sld [smem:$0x3FB3];
	_ =	sdelay $0x3  }
0x33: {  	p0 =	seq.s32 s10, $0x1;
	s10 =	sld [smem:$0x3FB5];
	_ =	sdelay $0x3  }
0x34: {  	[smem:$0x3FB5] =	sst s10  }
0x35: {  	s10 =	sld [smem:$0x3FB4];
	_ =	sdelay $0x3  }
0x36: {  	p1 =	seq.s32 s10, $0x1;
	s10 =	sld [smem:$0x3FB5];
	_ =	sdelay $0x3  }
0x37: {  	[smem:$0x3FB5] =	sst s10  }
0x38: {  	s10 =	sld [smem:$0x3FB6]  }
0x39: {  	_ = 	snop;
	(pc) =	sbr.ind lr, $3  }
0x3a: {  	_ = 	snop  }
0x3b: {  	_ = 	snop  }
0x3c: {  	p2 =	seq.s32 s10, $0x1;
	s10 =	sld [smem:$0x3FB5]  }
0x3d: {  	_ =	shalt  }
0x3e: {  	_ =	shalt  }
0x3f: {  	_ =	shalt  }
0x40: {  	_ =	shalt  }
0x41: {  	_ =	shalt  }
0x42: {  	_ =	shalt  }
0x43: {  	_ =	shalt  }
0x44: {  	_ =	shalt  }
0x45: {  	_ =	shalt  }
0x46: {  	_ =	shalt  }
0x47: {  	_ =	shalt  }
0x48: {  	_ =	shalt  }
0x49: {  	_ =	shalt  }
0x4a: {  	_ =	shalt  }
0x4b: {  	_ =	shalt  }
0x4c: {  	_ =	shalt  }
0x4d: {  	_ =	shalt  }
0x4e: {  	_ =	shalt  }
0x4f: {  	_ =	shalt  }
0x50: {  	_ =	shalt  }
0x51: {  	_ =	shalt  }
0x52: {  	_ =	shalt  }
0x53: {  	_ =	shalt  }
0x54: {  	_ =	shalt  }
0x55: {  	_ =	shalt  }
0x56: {  	_ =	shalt  }
0x57: {  	_ =	shalt  }
0x58: {  	_ =	shalt  }
0x59: {  	_ =	shalt  }
0x5a: {  	_ =	shalt  }
0x5b: {  	_ =	shalt  }
0x5c: {  	_ =	shalt  }
0x5d: {  	_ =	shalt  }
0x5e: {  	_ =	shalt  }
0x5f: {  	_ =	shalt  }
0x60: {  	_ =	shalt  }
0x61: {  	_ =	shalt  }
0x62: {  	_ =	shalt  }
0x63: {  	_ =	shalt  }
0x64: {  	_ =	shalt  }
0x65: {  	_ =	shalt  }
0x66: {  	_ =	shalt  }
0x67: {  	_ =	shalt  }
0x68: {  	_ =	shalt  }
0x69: {  	_ =	shalt  }
0x6a: {  	_ =	shalt  }
0x6b: {  	_ =	shalt  }
0x6c: {  	_ =	shalt  }
0x6d: {  	_ =	shalt  }
0x6e: {  	_ =	shalt  }
0x6f: {  	_ =	shalt  }
0x70: {  	_ =	shalt  }
0x71: {  	_ =	shalt  }
0x72: {  	_ =	shalt  }
0x73: {  	_ =	shalt  }
0x74: {  	_ =	shalt  }
0x75: {  	_ =	shalt  }
0x76: {  	_ =	shalt  }
0x77: {  	_ =	shalt  }
0x78: {  	_ =	shalt  }
0x79: {  	_ =	shalt  }
0x7a: {  	_ =	shalt  }
0x7b: {  	_ =	shalt  }
0x7c: {  	_ =	shalt  }
0x7d: {  	_ =	shalt  }
0x7e: {  	_ =	shalt  }
0x7f: {  	_ =	shalt  }
0x80: {  	_ =	shalt  }
0x81: {  	_ =	shalt  }
0x82: {  	_ =	shalt  }
0x83: {  	_ =	shalt  }
0x84: {  	_ =	shalt  }
0x85: {  	_ =	shalt  }
0x86: {  	_ =	shalt  }
0x87: {  	_ =	shalt  }
.Lfunc_end0:
.L_simem_size_0:
called_computation.1_lowered:
.L_overlay_start_0:
0x88: {  	s2 =	sld [smem:$0x3FD9]  }
0x89: {  	s3 =	sld [smem:$0x3FFE];
	_ =	sdelay $0x1  }
0x8a: {  	s1 =	srdreg.scid  }
0x8b: {  	s0 =	sand.u32 $0x1, s1  }
0x8c: {  	s17 =	sshll.u32 s0, $0xA;
	s2 =	sadd.s32 s3, s2  }
0x8d: {  	s2 =	sadd.s32 s2, s17  }
0x8e: {  	[smem:$0x3FC1] =	sst s2  }
0x8f: {  	_ = 	snop  }
0x90: {  	s2 =	sld [smem:$0x3FD0];
	(tm) =	ssettm $0x1  }
0x91: {  	s18 =	sld [smem:$0x3FFB];
	_ =	sdelay $0x3  }
0x92: {  	_ =	strace s18  }
0x93: {  	s3 =	sld [smem:$0x3FFC];
	_ =	sdelay $0x3  }
0x94: {  	_ =	strace s3  }
0x95: {  	s3 =	sld [smem:$0x3FFD];
	_ =	sdelay $0x3  }
0x96: {  	_ =	strace s3  }
0x97: {  	_ =	strace $0x8FFFFFFF  }
0x98: {  	s19 =	sld [smem:$0x3FDB];
	_ =	sdelay $0x1  }
0x99: {  	s4 =	simm.s32 $_scs_section_size  }
0x9a: {  	s5 =	simm.s32 $_size__tile_overlayer_lowered;
	s6 =	simm.s32 $_tile_overlayer_lowered  }
0x9b: {  	s22 =	simm.s32 $0x1BFF;
	s21 =	sshll.u32 s6, $0x1;
	s3 =	sadd.s32 s4, s19  }
0x9c: {  	s7 =	simm.s32 $0x0;
	s20 =	sshll.u32 s5, $0x1;
	s5 =	sadd.s32 s21, s3  }
0x9d: {  	[timem:s7], [sflag:s22] =	dma.local [hbm:s5], s20  }
0x9e: {  	_ =	swait.ge [sflag:s22], s20  }
0x9f: {  	s4 =	ssub.s32 $0x0, s20;
	[sflag:s22] =	ssyncset.done $0x0  }
0xa0: {  	[sflag:s22] =	ssyncadd.s32 s4;
	_ =	sdelay $0x1  }
0xa1: {  	s23 =	simm.s32 $0x1B8B  }
0xa2: {  	_ =	swait.ge [sflag:s23], $0x1  }
0xa3: {  	[sflag:s23] =	ssyncset.done $0x0  }
0xa4: {  	s25 =	simm.s32 $0x1B8E;
	s24 =	sld [smem:$0x3FFE];
	[sflag:s23] =	ssyncadd.s32 $0xFFFFFFFF  }
0xa5: {  	s26 =	simm.s32 $execute0_lowered;
	[smem:$0x3FD2] =	sst s25  }
0xa6: {  	s5 =	sshll.u32 s26, $0x1;
	_ =	strace $0x80000046;
	[dreg:$0x1] =	wrdreg $0xFFFFFFFF  }
0xa7: {  	s28 =	simm.s32 $_size_execute0_lowered;
	s3 =	sadd.s32 s3, s5;
	[dreg:$0x0] =	wrdreg $0x0  }
0xa8: {  	s5 =	sshll.u32 s28, $0x1;
	[dreg:$0x2] =	wrdreg s3  }
0xa9: {  	[dreg:$0x3] =	wrdreg s5  }
0xaa: {  	[dreg:$0x4] =	wrdreg $0xC0  }
0xab: {  	_ =	task [dreg:s7], $0x5FFFF  }
0xac: {  	[dreg:$0x1] =	wrdreg $0xFFFFFFFF  }
0xad: {  	[dreg:$0x0] =	wrdreg $0x60  }
0xae: {  	[dreg:$0x2] =	wrdreg s24  }
0xaf: {  	[dreg:$0x3] =	wrdreg s2  }
0xb0: {  	[dreg:$0x4] =	wrdreg $0x9  }
0xb1: {  	_ =	task.clear_ibuf [dreg:s7], $0x5FFFF;
	_ =	strace $0x90000046  }
0xb2: {  	s29 =	simm.s32 $0x9;
	_ =	strace $0x80000048  }
0xb3: {  	_ =	swait.ge [sflag:s29], $0x1  }
0xb4: {  	[sflag:s29] =	ssyncadd.s32 $0xFFFFFFFF  }
0xb5: {  	_ =	strace $0x90000048  }
0xb6: {  	_ =	sfence  }
0xb7: {  	s30 =	sld [smem:$0x0];
	_ =	sdelay $0x2  }
0xb8: {  	s31 =	sshll.u32 s1, $0xD;
	s1 =	sshrl.u32 s1, $0x2  }
0xb9: {  	s3 =	sand.u32 $0x4000, s31;
	s1 =	sadd.s32 s1, s30  }
0xba: {  	s0 =	sor.u32 s3, s0;
	s1 =	sshll.u32 s1, $0x11  }
0xbb: {  	s0 =	sor.u32 s1, s0  }
0xbc: {  	s0 =	sadd.s32 $0x8F2B, s0  }
0xbd: {  	[sflag:s0] =	ssyncadd.remote.s32 $0x1  }
0xbe: {  	_ =	sfence.sel $0xFFFF  }
0xbf: {  	[dreg:$0x0] =	wrdreg $0xFFFFFFFF;
	(pc) =	sbr.abs _section_cstart, $3  }
0xc0: {  	[dreg:$0x1] =	wrdreg $0xFFFFFFFF  }
0xc1: {  	_ =	task.clear_ibuf [dreg:s7], $0x2FFFF;
	_ =	strace $0x9FFFFFFF  }
0xc2: {  	(tm) =	ssettm $0x7FFFFFFF  }
0xc3: {  	_ =	shalt  }
tec
execute0_lowered:
.L_overlay_start_1:
0x0: {  	(tag) =	ssettag $0x1  }
0x1: {  	s4 =	rddreg [dreg:$0x0]  }
0x2: {  	s6 =	rddreg [dreg:$0x1]  }
0x3: {  	s0 =	rddreg [dreg:$0x2];
	s3 =	srdreg.scid  }
0x4: {  	s1 =	stileid.u32;
	s2 =	simm.s32 $0x0;
	s11 =	simm.s32 $0x0  }
0x5: {  	s5 =	sand.u32 $0x1, s3;
	s29 =	sshll.u32 s1, $0x1;
	s10 =	smul.u32 $0x3E800, s1  }
0x6: {  	[smem:$0x7FF] =	sst s2;
	s3 =	sor.u32 s5, s29;
	s31 =	smul.u32 $0x1F400, s5  }
0x7: {  	_ =	strace $0x80000047;
	s8 =	ssub.s32 $0x2, s5;
	s7 =	smul.u32 $0x1F40, s3  }
0x8: {  	s3 =	sadd.s32 $0x61C000, s4;
	s9 =	sshrl.u32 s8, $0x1;
	s6 =	sadd.s32 s10, s6  }
0x9: {  	s10 =	simm.s32 $0x1;
	s30 =	ssub.s32 s8, s9;
	s6 =	sadd.s32 s31, s6  }
0xa: {  	s8 =	simm.s32 $0x80;
	s9 =	simm.s32 $0xFA00;
	s4 =	sadd.s32 s7, s4  }
0xb: {  	s5 =	smax.u32 s30, $0x1;
	s7 =	simm.s32 $0x2;
	s4 =	sadd.s32 $0x1800, s4  }
.LBB2_1:
0xc: {  	[tilespmem:s2], [sflag:$0x2] =	stream.linear.gather [hbm4b:s4+s2], $0xFA00, $0x38;
	[tilespmem:$0x10200] =	vst v63  }
0xd: {  	_ =	swait.ge [sflag:s7], $0xFA00  }
0xe: {  	[sflag:s7] =	ssyncset.done $0x0  }
0xf: {  	[sflag:s7] =	ssyncadd.s32 $0xFFFF0600  }
0x10: {  	[tilespmem:s9], [sflag:$0x1] =	stream.indirect.gather [hbm4b:s3+s8], $0x10, s2, s8, $0xb8;
	[tilespmem:$0x10200] =	vst v63  }
0x11: {  	_ =	swait.ge [sflag:s10], $0x800  }
0x12: {  	[sflag:s10] =	ssyncset.done $0x0  }
0x13: {  	s12 =	sadd.s32 $0x0, s6;
	[sflag:s10] =	ssyncadd.s32 $0xFFFFF800  }
0x14: {  	[hbm4b:s12+s2] =	stream.linear.scatter [tilespmem:s9], [sflag:$0x2], $0x800, $0x38;
	[tilespmem:$0x10200] =	vst v63  }
0x15: {  	_ =	swait.ge [sflag:s7], $0x800  }
0x16: {  	s13 =	simm.s32 $0x0;
	s12 =	simm.s32 $0x100;
	[sflag:s7] =	ssyncset.done $0x0  }
.LBB2_2:
0x17: {  	p0 =	sne.s32 s12, $0x1F300;
	[sflag:s7] =	ssyncadd.s32 $0xFFFFF800;
	s13 =	sadd.s32 $0x80, s13  }
0x18: {  	[tilespmem:s9], [sflag:$0x1] =	stream.indirect.gather [hbm4b:s3+s8], $0x10, s13, s8, $0xb8;
	[tilespmem:$0x10200] =	vst v63  }
0x19: {  	s14 =	smov.u32 s12;
	s12 =	sadd.s32 $0x100, s12;
	_ =	swait.ge [sflag:s10], $0x800  }
.Ltmp0:
0x1a: {  	[sflag:s10] =	ssyncset.done $0x0;
	(pc) =	sbr.rel @p0 .LBB2_2-.Ltmp0, $4  }
0x1b: {  	s14 =	sadd.s32 s14, s6;
	[sflag:s10] =	ssyncadd.s32 $0xFFFFF800  }
0x1c: {  	[hbm4b:s14+s2] =	stream.linear.scatter [tilespmem:s9], [sflag:$0x2], $0x800, $0x38;
	[tilespmem:$0x10200] =	vst v63  }
0x1d: {  	_ =	swait.ge [sflag:s7], $0x800  }
0x1e: {  	[sflag:s7] =	ssyncset.done $0x0  }
0x1f: {  	s11 =	sadd.s32 $0x1, s11  }
0x20: {  	p0 =	sne.s32 s11, s5  }
.Ltmp1:
0x21: {  	_ = 	snop;
	(pc) =	sbr.rel @p0 .LBB2_1-.Ltmp1, $2  }
0x22: {  	_ =	sdelay $0x2  }
0x23: {  	[sflag:s7] =	ssyncadd.s32 $0xFFFFF800  }
0x24: {  	_ =	sfence.sel $0x180000  }
0x25: {  	[bflag:$0x0] =	sbarrier.arrive $0xFFFF  }
0x26: {  	p0 =	sne.s32 s1, $0x0;
	_ =	strace $0x90000047  }
0x27: {  	s0 =	sadd.s32 @!p0 $0x100000, s0;
	[bflag:$0x2] =	sbarrier.arrive $0xFFFF  }
0x28: {  	[sflag:s0] =	ssyncadd.tile.s32 @!p0 $0x1;
	_ =	shalt  }
.Lfunc_end2:
_tile_overlayer_lowered:
.L_overlay_start_2:
0x29: {  	(tag) =	ssettag $0x2  }
0x2a: {  	s0 =	rddreg [dreg:$0x0];
	s2 =	stileid.u32  }
0x2b: {  	s1 =	rddreg [dreg:$0x1];
	p0 =	sne.s32 s2, $0x0  }
0x2c: {  	s3 =	rddreg [dreg:$0x2];
	[bflag:$0x3] =	sbarrier.arrive $0xFFFF;
	s2 =	simm.s32 @!p0 $0x1C02  }
0x2d: {  	[timem:s3], [sflag:s2] =	dma.local @!p0 [hbm:s0], s1  }
0x2e: {  	s0 =	simm.s32 @!p0 $0x2  }
0x2f: {  	_ =	swait.ge @!p0 [sflag:s0], s1  }
0x30: {  	s1 =	ssub.s32 @!p0 $0x0, s1;
	[sflag:s0] =	ssyncset.done @!p0 $0x0  }
0x31: {  	[sflag:s0] =	ssyncadd.s32 @!p0 s1  }
0x32: {  	[bflag:$0x3] =	sbarrier.arrive $0xFFFF  }
0x33: {  	_ =	shalt  }

// kernel: sparse-core-data-format-call.cloned.1.call-start
scs
called_computation_lowered:
.L_overlay_start_0:
0x0: {  	s2 =	sld [smem:$0x3FD9]  }
0x1: {  	s3 =	sld [smem:$0x3FFE];
	_ =	sdelay $0x1  }
0x2: {  	s1 =	srdreg.scid  }
0x3: {  	s0 =	sand.u32 $0x1, s1  }
0x4: {  	s18 =	sshll.u32 s0, $0xA;
	s2 =	sadd.s32 s3, s2  }
0x5: {  	s2 =	sadd.s32 s2, s18  }
0x6: {  	[smem:$0x3FC1] =	sst s2  }
0x7: {  	_ = 	snop  }
0x8: {  	s2 =	sld [smem:$0x3FD0];
	(tm) =	ssettm $0x1  }
0x9: {  	s19 =	sld [smem:$0x3FFB];
	_ =	sdelay $0x3  }
0xa: {  	_ =	strace s19  }
0xb: {  	s3 =	sld [smem:$0x3FFC];
	_ =	sdelay $0x3  }
0xc: {  	_ =	strace s3  }
0xd: {  	s3 =	sld [smem:$0x3FFD];
	_ =	sdelay $0x3  }
0xe: {  	_ =	strace s3  }
0xf: {  	_ =	strace $0x8FFFFFFF  }
0x10: {  	s20 =	sld [smem:$0x3FDB];
	_ =	sdelay $0x1  }
0x11: {  	s4 =	simm.s32 $_scs_section_size  }
0x12: {  	s5 =	simm.s32 $_size__tile_overlayer_lowered;
	s6 =	simm.s32 $_tile_overlayer_lowered  }
0x13: {  	s23 =	simm.s32 $0x1BFF;
	s22 =	sshll.u32 s6, $0x1;
	s3 =	sadd.s32 s4, s20  }
0x14: {  	s7 =	simm.s32 $0x0;
	s21 =	sshll.u32 s5, $0x1;
	s5 =	sadd.s32 s22, s3  }
0x15: {  	[timem:s7], [sflag:s23] =	dma.local [hbm:s5], s21  }
0x16: {  	_ =	swait.ge [sflag:s23], s21  }
0x17: {  	s4 =	ssub.s32 $0x0, s21;
	[sflag:s23] =	ssyncset.done $0x0  }
0x18: {  	[sflag:s23] =	ssyncadd.s32 s4;
	_ =	sdelay $0x1  }
0x19: {  	s24 =	simm.s32 $0x1B8B  }
0x1a: {  	_ =	swait.ge [sflag:s24], $0x1  }
0x1b: {  	[sflag:s24] =	ssyncset.done $0x0  }
0x1c: {  	s26 =	simm.s32 $0x1B8E;
	s25 =	sld [smem:$0x3FFE];
	[sflag:s24] =	ssyncadd.s32 $0xFFFFFFFF  }
0x1d: {  	s27 =	simm.s32 $execute0_lowered;
	[smem:$0x3FD2] =	sst s26  }
0x1e: {  	s5 =	sshll.u32 s27, $0x1;
	_ =	strace $0x8000004F;
	[dreg:$0x1] =	wrdreg $0xFFFFFFFF  }
0x1f: {  	s28 =	simm.s32 $_size_execute0_lowered;
	s3 =	sadd.s32 s3, s5;
	[dreg:$0x0] =	wrdreg $0x0  }
0x20: {  	s5 =	sshll.u32 s28, $0x1;
	[dreg:$0x2] =	wrdreg s3  }
0x21: {  	[dreg:$0x3] =	wrdreg s5  }
0x22: {  	[dreg:$0x4] =	wrdreg $0xC0  }
0x23: {  	_ =	task [dreg:s7], $0x5FFFF  }
0x24: {  	[dreg:$0x1] =	wrdreg $0xFFFFFFFF  }
0x25: {  	[dreg:$0x0] =	wrdreg $0x60  }
0x26: {  	[dreg:$0x2] =	wrdreg s25  }
0x27: {  	[dreg:$0x3] =	wrdreg s2  }
0x28: {  	[dreg:$0x4] =	wrdreg $0x9  }
0x29: {  	_ =	task.clear_ibuf [dreg:s7], $0x5FFFF;
	_ =	strace $0x9000004F  }
0x2a: {  	s29 =	simm.s32 $0x9;
	_ =	strace $0x80000051  }
0x2b: {  	_ =	swait.ge [sflag:s29], $0x1  }
0x2c: {  	[sflag:s29] =	ssyncadd.s32 $0xFFFFFFFF  }
0x2d: {  	_ =	strace $0x90000051  }
0x2e: {  	_ =	sfence  }
0x2f: {  	s30 =	sld [smem:$0x0];
	_ =	sdelay $0x2  }
0x30: {  	s31 =	sshll.u32 s1, $0xD;
	s1 =	sshrl.u32 s1, $0x2  }
0x31: {  	s3 =	sand.u32 $0x4000, s31;
	s1 =	sadd.s32 s1, s30  }
0x32: {  	s0 =	sor.u32 s3, s0;
	s1 =	sshll.u32 s1, $0x11  }
0x33: {  	s0 =	sor.u32 s1, s0  }
0x34: {  	s0 =	sadd.s32 $0x8F2B, s0  }
0x35: {  	[sflag:s0] =	ssyncadd.remote.s32 $0x1  }
0x36: {  	_ =	sfence.sel $0xFFFF  }
0x37: {  	[dreg:$0x0] =	wrdreg $0xFFFFFFFF;
	(pc) =	sbr.abs _section_cstart, $3  }
0x38: {  	[dreg:$0x1] =	wrdreg $0xFFFFFFFF  }
0x39: {  	_ =	task.clear_ibuf [dreg:s7], $0x2FFFF;
	_ =	strace $0x9FFFFFFF  }
0x3a: {  	(tm) =	ssettm $0x7FFFFFFF  }
0x3b: {  	_ =	shalt  }
tec
execute0_lowered:
.L_overlay_start_1:
0x0: {  	(tag) =	ssettag $0x1  }
0x1: {  	s0 =	rddreg [dreg:$0x0];
	s1 =	srdreg.scid  }
0x2: {  	_ =	strace $0x80000050;
	s2 =	stileid.u32;
	s30 =	simm.s32 $0x1  }
0x3: {  	s31 =	simm.s32 $0x2;
	s21 =	simm.s32 $0x0;
	s10 =	simm.s32 $0x1000  }
0x4: {  	s20 =	simm.s32 $0x0;
	s22 =	simm.s32 $0x0;
	s23 =	simm.s32 $0x0  }
0x5: {  	s11 =	simm.s32 $0x0;
	s12 =	simm.s32 $0x0;
	s14 =	simm.s32 $0x0  }
0x6: {  	s16 =	simm.s32 $0x0;
	s15 =	simm.s32 $0x0;
	s17 =	simm.s32 $0x0  }
.Ltmp0:
0x7: {  	s0 =	sadd.s32 $0x1800, s0;
	s29 =	sshll.u32 s1, $0x4;
	(pc) =	sbr.rel .LBB1_1-.Ltmp0, $4  }
0x8: {  	s13 =	simm.s32 $0x0;
	[dreg:$0x3] =	wrdreg s0;
	s0 =	sand.u32 $0x10, s29  }
0x9: {  	[sflag:s30] =	ssyncpa.u1 $0x0;
	s8 =	sand.u32 $0x3, s2;
	s0 =	sor.u32 s2, s0  }
0xa: {  	[sflag:s31] =	ssyncpa.u1 $0x0;
	[dreg:$0x4] =	wrdreg s8;
	s9 =	sshrl.u32 s0, $0x2  }
0xb: {  	s19 =	smov.u32 s8;
	s18 =	smov.u32 s9;
	[dreg:$0x5] =	wrdreg s9  }
.LBB1_18:
0xc: {  	s11 =	rddreg [dreg:$0x6]  }
0xd: {  	s12 =	rddreg [dreg:$0x7]  }
0xe: {  	s4 =	rddreg [dreg:$0x14]  }
0xf: {  	s5 =	rddreg [dreg:$0x15]  }
0x10: {  	s23 =	rddreg [dreg:$0x13]  }
0x11: {  	s16 =	rddreg [dreg:$0xb]  }
0x12: {  	s14 =	rddreg [dreg:$0x9]  }
0x13: {  	s27 =	rddreg [dreg:$0x1]  }
0x14: {  	s30 =	rddreg [dreg:$0x16]  }
0x15: {  	s8 =	rddreg [dreg:$0x4]  }
0x16: {  	s9 =	rddreg [dreg:$0x5]  }
0x17: {  	s13 =	rddreg [dreg:$0x8]  }
0x18: {  	s15 =	rddreg [dreg:$0xa]  }
0x19: {  	s17 =	rddreg [dreg:$0xc]  }
0x1a: {  	s18 =	rddreg [dreg:$0xd]  }
0x1b: {  	s19 =	rddreg [dreg:$0xe]  }
0x1c: {  	s10 =	simm.s32 $0x1000;
	s20 =	rddreg [dreg:$0xf];
	s0 =	sshll.u32 s11, $0x9  }
0x1d: {  	s1 =	sshll.u32 s12, $0x3;
	s2 =	sshll.u32 s11, $0x7;
	p0 =	sgt.s32 s12, $0x180  }
0x1e: {  	s3 =	smov.u32 s12;
	s24 =	sand.u32 $0x78, s12;
	s25 =	smul.u32 $0x1B0000, s16  }
0x1f: {  	s26 =	smul.u32 $0x6C00, s14;
	s28 =	sand.u32 $0x7, s12;
	s0 =	sand.u32 $0xFFFFF000, s0  }
0x20: {  	s1 =	sand.u32 $0xFFFFFC00, s1;
	s21 =	sand.u32 $0x200, s2;
	s3 =	simm.s32 @!p0 $0x180  }
0x21: {  	p0 =	sgt.s32 s11, $0x130;
	s2 =	sand.u32 $0x180, s2;
	s29 =	sshll.u32 s28, $0x12  }
0x22: {  	s0 =	sadd.s32 s1, s0;
	s1 =	smov.u32 s11;
	s3 =	sadd.s32 s4, s3  }
0x23: {  	s2 =	sor.u32 s24, s2;
	s31 =	sor.u32 $0x400, s29;
	s0 =	sor.u32 s21, s0  }
0x24: {  	s1 =	simm.s32 @!p0 $0x130;
	s4 =	sadd.s32 $0xFFFFFE80, s3;
	s0 =	sshrl.u32 s0, $0x9  }
0x25: {  	s3 =	ssub.s32 $0x200, s3;
	s2 =	sshrl.u32 s2, $0x3;
	s22 =	smulhi.u32 $0x97B426, s0  }
0x26: {  	s21 =	rddreg [dreg:$0x10];
	s1 =	sadd.s32 s5, s1;
	p0 =	sgt.s32 s4, $0x7F  }
0x27: {  	s5 =	sadd.s32 $0xFFFFFED0, s1;
	s3 =	simm.s32 @p0 $0x0;
	s4 =	smul.u32 $0x1B0, s22  }
0x28: {  	s1 =	ssub.s32 $0x1B0, s1;
	p0 =	sgt.s32 s5, $0x7F;
	s3 =	smul.u32 s23, s3  }
0x29: {  	s1 =	simm.s32 @p0 $0x0;
	s0 =	ssub.s32 s0, s4;
	s4 =	sadd.s32 s27, s25  }
0x2a: {  	s23 =	rddreg [dreg:$0x12];
	s1 =	smul.u32 s1, s3;
	s3 =	sadd.s32 s26, s4  }
0x2b: {  	s22 =	rddreg [dreg:$0x11];
	s0 =	sshll.u32 s0, $0x6;
	s2 =	sadd.s32 s2, s3  }
0x2c: {  	s1 =	sand.u32 $0x3FFFFFFF, s1;
	s4 =	sor.u32 $0x8000, s30;
	s0 =	sadd.s32 s0, s2  }
0x2d: {  	[hbm4b:s0+s31] =	stream.strided.scatter [tilespmem:s4], [sflag:$0x2], s1, s10, s31, $0x20;
	[tilespmem:$0x10100] =	vst v63  }
.LBB1_19:
0x2e: {  	p0 =	slt.u32 s13, $0x2  }
0x2f: {  	s0 =	smov.u32 s23;
	s2 =	smov.u32 s22;
	s5 =	smov.u32 s20  }
0x30: {  	s13 =	sadd.s32 $0x1, s13;
	p1 =	sgt.s32 @!p0 s23, $0x3;
	s1 =	sshra.s32 @!p0 s23, $0x1F  }
0x31: {  	s3 =	sshra.s32 @!p0 s22, $0x1F;
	p3 =	sgt.s32 @!p0 s20, $0x180;
	p1 =	por !p1, p0  }
0x32: {  	s4 =	sshra.s32 @!p0 s20, $0x1F;
	s1 =	sand.u32 @!p0 s1, s23;
	s0 =	simm.s32 @p1 $0x3  }
0x33: {  	s4 =	sand.u32 @!p0 s4, s20;
	p1 =	sgt.s32 @!p0 s22, $0x3F;
	s0 =	ssub.s32 @!p0 s0, s1  }
0x34: {  	s20 =	smov.u32 s12;
	p1 =	por !p1, p0;
	s1 =	sadd.s32 @!p0 $0xFFFFFFFD, s0  }
0x35: {  	s2 =	simm.s32 @p1 $0x3F;
	p2 =	sgt.s32 @!p0 s1, $0x0;
	s1 =	sand.u32 @!p0 s3, s22  }
0x36: {  	s0 =	ssub.s32 @!p0 $0x4, s0;
	p1 =	por !p2, p0;
	s1 =	ssub.s32 @!p0 s2, s1  }
0x37: {  	s3 =	smov.u32 s21;
	s0 =	simm.s32 @!p1 $0x0;
	s2 =	sadd.s32 @!p0 $0xFFFFFFC1, s1  }
0x38: {  	p1 =	sgt.s32 @!p0 s21, $0x130;
	p2 =	sgt.s32 @!p0 s2, $0x0;
	s2 =	sshra.s32 @!p0 s21, $0x1F  }
0x39: {  	s1 =	ssub.s32 @!p0 $0x40, s1;
	p1 =	por !p1, p0;
	s2 =	sand.u32 @!p0 s2, s21  }
0x3a: {  	s3 =	simm.s32 @p1 $0x130;
	p1 =	por !p3, p0;
	p2 =	por !p2, p0  }
0x3b: {  	s5 =	simm.s32 @p1 $0x180;
	s1 =	simm.s32 @!p2 $0x0;
	s2 =	ssub.s32 @!p0 s3, s2  }
0x3c: {  	s3 =	ssub.s32 @!p0 s5, s4;
	s0 =	smul.u32 @!p0 s0, s1;
	s1 =	sadd.s32 @!p0 $0xFFFFFED0, s2  }
0x3d: {  	s5 =	smov.u32 s17;
	s4 =	sadd.s32 @!p0 $0xFFFFFE80, s3;
	p1 =	sgt.s32 @!p0 s1, $0x7F  }
0x3e: {  	s1 =	ssub.s32 @!p0 $0x1B0, s2;
	s2 =	ssub.s32 @!p0 $0x200, s3;
	p2 =	sgt.s32 @!p0 s4, $0x7F  }
0x3f: {  	s3 =	sadd.s32 $0x80, s15;
	s4 =	sadd.s32 $0x80, s17;
	p2 =	por !p2, p0  }
0x40: {  	p1 =	por !p1, p0;
	s2 =	simm.s32 @!p2 $0x0;
	p2 =	sgt.s32 s3, $0x1AF  }
0x41: {  	s1 =	simm.s32 @!p1 $0x0;
	s0 =	smul.u32 @!p0 s2, s0;
	s5 =	smov.u32 @p2 s4  }
0x42: {  	s2 =	sadd.s32 $0x8, s18;
	s4 =	smov.u32 s18;
	p1 =	sgt.s32 s5, $0x1EF  }
0x43: {  	s3 =	simm.s32 @p2 $0x0;
	s0 =	smul.u32 @!p0 s1, s0;
	s4 =	smov.u32 @p1 s2  }
0x44: {  	s1 =	sadd.s32 $0x4, s19;
	s2 =	smov.u32 s19;
	p2 =	sgt.s32 s4, $0x3F  }
0x45: {  	s23 =	smov.u32 s16;
	s12 =	smov.u32 s17;
	s2 =	smov.u32 @p2 s1  }
0x46: {  	s16 =	smov.u32 s19;
	s5 =	simm.s32 @p1 $0x0;
	p1 =	sgt.s32 s2, $0x3  }
0x47: {  	s22 =	smov.u32 s14;
	s2 =	smov.u32 @p1 s8;
	p1 =	sne.s32 s13, $0x82  }
.Ltmp1:
0x48: {  	s14 =	smov.u32 s18;
	s21 =	smov.u32 s11;
	(pc) =	sbr.rel @!p1 .LBB1_20-.Ltmp1, $4  }
0x49: {  	s11 =	smov.u32 s15;
	s0 =	sand.u32 @!p0 $0x3FFFFFFF, s0;
	s1 =	simm.s32 @!p0 $0x2  }
0x4a: {  	s15 =	smov.u32 s3;
	s17 =	smov.u32 s5;
	_ =	swait.ge @!p0 [sflag:s1], s0  }
0x4b: {  	s4 =	smov.u32 @p2 s9;
	s0 =	ssub.s32 @!p0 $0x0, s0;
	[sflag:s1] =	ssyncset.done @!p0 $0x0  }
0x4c: {  	s18 =	smov.u32 s4;
	[sflag:s1] =	ssyncadd.s32 @!p0 s0;
	s19 =	smov.u32 s2  }
.LBB1_1:
0x4d: {  	p0 =	sgt.u32 s13, $0x7F  }
.Ltmp2:
0x4e: {  	_ = 	snop;
	(pc) =	sbr.rel @p0 .LBB1_3-.Ltmp2, $1  }
0x4f: {  	_ =	sdelay $0x3  }
0x50: {  	s0 =	sand.u32 $0x78, s15;
	s1 =	sshll.u32 s17, $0x9  }
0x51: {  	s2 =	sshll.u32 s15, $0x3;
	s3 =	sshll.u32 s17, $0x7;
	p0 =	sgt.s32 s19, $0x3  }
0x52: {  	s26 =	sshra.s32 s19, $0x1F;
	s4 =	smov.u32 s18;
	s5 =	sshra.s32 s18, $0x1F  }
0x53: {  	s29 =	sshra.s32 s17, $0x1F;
	s31 =	sshra.s32 s15, $0x1F;
	s1 =	sand.u32 $0xFFFFF000, s1  }
0x54: {  	s2 =	sand.u32 $0xFFFFFC00, s2;
	s25 =	sand.u32 $0x200, s3;
	s3 =	sand.u32 $0x180, s3  }
0x55: {  	s27 =	sand.u32 s5, s18;
	s30 =	sand.u32 s29, s17;
	s29 =	sand.u32 $0x7, s15  }
0x56: {  	s1 =	sadd.s32 s1, s2;
	s0 =	sor.u32 s0, s3;
	s2 =	smov.u32 s19  }
0x57: {  	s3 =	sand.u32 s26, s19;
	s26 =	smul.u32 $0x7C00, s18;
	s1 =	sor.u32 s25, s1  }
0x58: {  	s2 =	simm.s32 @!p0 $0x3;
	p0 =	sgt.s32 s18, $0x3F;
	s25 =	smul.u32 $0x1F0000, s19  }
0x59: {  	s0 =	sshrl.u32 s0, $0x3;
	s1 =	sshrl.u32 s1, $0x9;
	s2 =	ssub.s32 s2, s3  }
0x5a: {  	s4 =	simm.s32 @!p0 $0x3F;
	s28 =	smulhi.u32 $0x842109, s1;
	s6 =	sadd.s32 $0xFFFFFFFD, s2  }
0x5b: {  	s3 =	ssub.s32 s4, s27;
	s2 =	ssub.s32 $0x4, s2;
	p0 =	sgt.s32 s6, $0x0  }
0x5c: {  	s4 =	sadd.s32 $0xFFFFFFC1, s3;
	s3 =	ssub.s32 $0x40, s3;
	s6 =	sand.u32 s31, s15  }
0x5d: {  	s2 =	simm.s32 @p0 $0x0;
	p0 =	sgt.s32 s4, $0x0;
	s4 =	smov.u32 s17  }
0x5e: {  	s5 =	smul.u32 $0x1F0, s28;
	s3 =	simm.s32 @p0 $0x0;
	p0 =	sgt.s32 s17, $0x170  }
0x5f: {  	s28 =	rddreg [dreg:$0x3];
	s2 =	smul.u32 s2, s3;
	s4 =	simm.s32 @!p0 $0x170  }
0x60: {  	p0 =	sgt.s32 s15, $0x180;
	s3 =	ssub.s32 s4, s30;
	s4 =	smov.u32 s15  }
0x61: {  	s1 =	ssub.s32 s1, s5;
	s7 =	sadd.s32 $0xFFFFFE90, s3;
	s4 =	simm.s32 @!p0 $0x180  }
0x62: {  	s3 =	ssub.s32 $0x1F0, s3;
	p0 =	sgt.s32 s7, $0x7F;
	s4 =	ssub.s32 s4, s6  }
0x63: {  	s1 =	sshll.u32 s1, $0x6;
	s3 =	simm.s32 @p0 $0x0;
	s24 =	sadd.s32 $0xFFFFFE80, s4  }
0x64: {  	s2 =	smul.u32 s3, s2;
	p0 =	sgt.s32 s24, $0x7F;
	s3 =	ssub.s32 $0x200, s4  }
0x65: {  	s30 =	sshll.u32 s29, $0x12;
	s4 =	sadd.s32 s28, s25;
	s3 =	simm.s32 @p0 $0x0  }
0x66: {  	s7 =	sxor.u32 $0xFFFFFFFF, s13;
	s4 =	sadd.s32 s26, s4;
	s2 =	smul.u32 s3, s2  }
0x67: {  	s31 =	sor.u32 $0x400, s30;
	s6 =	sshll.u32 s7, $0xE;
	s0 =	sadd.s32 s0, s4  }
0x68: {  	s27 =	sand.u32 $0x4000, s6;
	s0 =	sadd.s32 s1, s0;
	s2 =	sand.u32 $0x3FFFFFFF, s2  }
0x69: {  	[tilespmem:s27], [sflag:$0x1] =	stream.strided.gather [hbm4b:s0+s31], s2, s10, s31, $0x38;
	[tilespmem:$0x10100] =	vst v63  }
.LBB1_3:
0x6a: {  	p0 =	seq.s32 s13, $0x0  }
0x6b: {  	p1 =	seq.s32 @!p0 s13, $0x81  }
0x6c: {  	p0 =	por p0, p1  }
.Ltmp3:
0x6d: {  	_ = 	snop;
	(pc) =	sbr.rel @p0 .LBB1_19-.Ltmp3, $1  }
0x6e: {  	_ =	sdelay $0x3  }
0x6f: {  	[dreg:$0x12] =	wrdreg s23  }
0x70: {  	[dreg:$0x11] =	wrdreg s22  }
0x71: {  	[dreg:$0x10] =	wrdreg s21  }
0x72: {  	[dreg:$0xf] =	wrdreg s20  }
0x73: {  	[dreg:$0xe] =	wrdreg s19  }
0x74: {  	[dreg:$0xd] =	wrdreg s18  }
0x75: {  	[dreg:$0xc] =	wrdreg s17  }
0x76: {  	[dreg:$0xa] =	wrdreg s15;
	p0 =	sgt.s32 s16, $0x3;
	s0 =	smov.u32 s16  }
0x77: {  	s1 =	sshra.s32 s16, $0x1F;
	s2 =	sshra.s32 s14, $0x1F;
	s19 =	ssub.s32 $0x0, s12  }
0x78: {  	s20 =	sshra.s32 s12, $0x1F;
	p1 =	sgt.s32 s12, $0x170;
	s4 =	smov.u32 s12  }
0x79: {  	s23 =	ssub.s32 $0x0, s11;
	s24 =	sshra.s32 s11, $0x1F;
	s0 =	simm.s32 @!p0 $0x3  }
0x7a: {  	s1 =	sand.u32 s1, s16;
	p0 =	sgt.s32 s14, $0x3F;
	s2 =	sand.u32 s2, s14  }
0x7b: {  	s4 =	simm.s32 @!p1 $0x170;
	s0 =	ssub.s32 s0, s1;
	s1 =	smov.u32 s14  }
0x7c: {  	s3 =	sadd.s32 $0xFFFFFFFD, s0;
	s1 =	simm.s32 @!p0 $0x3F;
	s0 =	ssub.s32 $0x4, s0  }
0x7d: {  	p0 =	sgt.s32 s3, $0x0;
	s1 =	ssub.s32 s1, s2;
	s2 =	sand.u32 s19, s20  }
0x7e: {  	s3 =	smov.u32 s11;
	s5 =	sadd.s32 $0xFFFFFFC1, s1;
	s1 =	ssub.s32 $0x40, s1  }
0x7f: {  	[dreg:$0x14] =	wrdreg s2;
	s2 =	sadd.s32 s2, s4;
	s0 =	simm.s32 @p0 $0x0  }
0x80: {  	p1 =	sgt.s32 s5, $0x0;
	s21 =	sadd.s32 $0xFFFFFE90, s2;
	s2 =	ssub.s32 $0x1F0, s2  }
0x81: {  	s1 =	simm.s32 @p1 $0x0;
	p0 =	sgt.s32 s21, $0x7F;
	p1 =	sgt.s32 s11, $0x180  }
0x82: {  	s22 =	smul.u32 s0, s1;
	s0 =	sand.u32 s23, s24;
	s3 =	simm.s32 @!p1 $0x180  }
0x83: {  	s2 =	simm.s32 @p0 $0x0;
	[dreg:$0x15] =	wrdreg s0;
	s0 =	sadd.s32 s0, s3  }
0x84: {  	[dreg:$0x6] =	wrdreg s11;
	s25 =	smul.u32 s2, s22;
	s26 =	sadd.s32 $0xFFFFFE80, s0  }
0x85: {  	s0 =	ssub.s32 $0x200, s0;
	s2 =	sadd.s32 $0x1, s16;
	p0 =	sgt.s32 s26, $0x7F  }
0x86: {  	s3 =	sadd.s32 $0x1, s14;
	s0 =	simm.s32 @p0 $0x0;
	p0 =	slt.s32 s2, $0x4  }
0x87: {  	[dreg:$0xb] =	wrdreg s16;
	s2 =	simm.s32 @!p0 $0x4;
	p0 =	slt.s32 s3, $0x40  }
0x88: {  	s1 =	sadd.s32 $0x80, s12;
	s2 =	ssub.s32 s2, s16;
	s3 =	simm.s32 @!p0 $0x40  }
0x89: {  	p1 =	slt.s32 s1, $0x1F0;
	s3 =	ssub.s32 s3, s14;
	p0 =	slt.s32 s2, $0x1  }
0x8a: {  	[dreg:$0x9] =	wrdreg s14;
	s1 =	simm.s32 @!p1 $0x1F0;
	p1 =	slt.s32 @!p0 s3, $0x1  }
0x8b: {  	[dreg:$0x7] =	wrdreg s12;
	s27 =	ssub.s32 s1, s12;
	p1 =	por p0, p1  }
0x8c: {  	[dreg:$0x8] =	wrdreg s13;
	p2 =	slt.s32 @!p1 s27, $0x1  }
0x8d: {  	[dreg:$0x13] =	wrdreg s22;
	s0 =	smul.u32 s0, s25;
	p1 =	por p1, p2  }
.Ltmp4:
0x8e: {  	s29 =	simm.s32 $0x1;
	[dreg:$0x17] =	wrdreg s2;
	(pc) =	sbr.rel @p1 .LBB1_18-.Ltmp4, $4  }
0x8f: {  	s28 =	sand.u32 $0x3FFFFFFF, s0;
	s0 =	sand.u32 $0x1, s13;
	[dreg:$0x18] =	wrdreg s3  }
0x90: {  	s31 =	smul.u32 $0x4080, s0;
	_ =	swait.ge [sflag:s29], s28  }
0x91: {  	s30 =	ssub.s32 $0x0, s28;
	[sflag:s29] =	ssyncset.done $0x0  }
0x92: {  	[dreg:$0x16] =	wrdreg s31;
	[sflag:s29] =	ssyncadd.s32 s30  }
0x93: {  	s2 =	rddreg [dreg:$0x6]  }
0x94: {  	s1 =	sadd.s32 $0x80, s2  }
0x95: {  	p1 =	slt.s32 s1, $0x1B0  }
0x96: {  	s1 =	simm.s32 @!p1 $0x1B0  }
.Ltmp5:
0x97: {  	s1 =	ssub.s32 s1, s2;
	(pc) =	sbr.rel .LBB1_6-.Ltmp5, $4  }
0x98: {  	s30 =	sshll.u32 @!p0 s0, $0xE;
	s0 =	rddreg [dreg:$0x16];
	s2 =	sadd.s32 $0xF, s1  }
0x99: {  	s31 =	sor.u32 @!p0 $0x8000, s0;
	s28 =	sand.u32 $0xFFFFFFF0, s2  }
0x9a: {  	s29 =	sand.u32 @!p0 $0xFFFFFF00, s2;
	s1 =	sshll.u32 s2, $0x3;
	p0 =	slt.s32 s2, $0x100  }
0x9b: {  	s0 =	sand.u32 $0xFFFFF800, s1;
	s1 =	simm.s32 $0x0;
	p1 =	sge.s32 s29, s28  }
.LBB1_17:
0x9c: {  	s1 =	sadd.s32 $0x1, s1;
	s2 =	rddreg [dreg:$0x17]  }
0x9d: {  	p2 =	sne.s32 s1, s2  }
.Ltmp6:
0x9e: {  	_ = 	snop;
	(pc) =	sbr.rel @!p2 .LBB1_18-.Ltmp6, $1  }
0x9f: {  	_ =	sdelay $0x3  }
.LBB1_6:
.Ltmp7:
0xa0: {  	(pc) =	sbr.rel .LBB1_7-.Ltmp7, $2  }
0xa1: {  	_ =	sdelay $0x2  }
0xa2: {  	s2 =	simm.s32 $0x0  }
.LBB1_16:
0xa3: {  	s2 =	sadd.s32 $0x1, s2;
	s3 =	rddreg [dreg:$0x18]  }
0xa4: {  	p2 =	sne.s32 s2, s3  }
.Ltmp8:
0xa5: {  	_ = 	snop;
	(pc) =	sbr.rel @!p2 .LBB1_17-.Ltmp8, $1  }
0xa6: {  	_ =	sdelay $0x3  }
.LBB1_7:
.Ltmp9:
0xa7: {  	s3 =	sadd.s32 s1, s2;
	(pc) =	sbr.rel .LBB1_8-.Ltmp9, $3  }
0xa8: {  	s4 =	sshll.u32 s3, $0x10;
	s3 =	smul.u32 $0x10200, s3;
	_ =	sdelay $0x1  }
0xa9: {  	s5 =	simm.s32 $0x400;
	s4 =	sshra.s32 s4, $0x2;
	s3 =	sshra.s32 s3, $0x2  }
0xaa: {  	s7 =	sadd.s32 s4, s30;
	s4 =	simm.s32 $0x0;
	s3 =	sadd.s32 s3, s31  }
.LBB1_15:
0xab: {  	s4 =	sadd.s32 $0x1, s4  }
0xac: {  	p2 =	sne.s32 s4, s27  }
.Ltmp10:
0xad: {  	_ = 	snop;
	(pc) =	sbr.rel @!p2 .LBB1_16-.Ltmp10, $2  }
0xae: {  	_ =	sdelay $0x2  }
0xaf: {  	s5 =	sadd.s32 $0x80, s5  }
.LBB1_8:
.Ltmp11:
0xb0: {  	(pc) =	sbr.rel @p0 .LBB1_12-.Ltmp11, $2  }
0xb1: {  	_ =	sdelay $0x2  }
0xb2: {  	s6 =	sshll.u32 s4, $0x7;
	s24 =	sand.u32 $0x7F, s4  }
0xb3: {  	s10 =	sshll.u32 s4, $0x3  }
0xb4: {  	s13 =	sand.u32 $0x380, s6;
	s8 =	sshrl.u32 s10, $0x7  }
0xb5: {  	s9 =	sadd.s32 $0x800, s10;
	s15 =	sadd.s32 $0x1000, s10;
	s18 =	sadd.s32 $0x1800, s10  }
0xb6: {  	s20 =	sadd.s32 $0x2800, s10;
	s26 =	sadd.s32 $0x3000, s10;
	s10 =	sadd.s32 $0x3800, s10  }
0xb7: {  	s11 =	sand.u32 $0x78, s8;
	s9 =	sshrl.u32 s9, $0x7;
	s17 =	sshrl.u32 s15, $0x7  }
0xb8: {  	s15 =	sshrl.u32 s18, $0x7;
	s25 =	sshrl.u32 s20, $0x7;
	s10 =	sshrl.u32 s10, $0x7  }
0xb9: {  	s16 =	sadd.s32 $0x10, s8;
	s12 =	smul.u32 $0x204, s11;
	s9 =	sand.u32 $0x78, s9  }
0xba: {  	s20 =	sadd.s32 $0x30, s8;
	s11 =	sxor.u32 $0x40, s11;
	s14 =	smul.u32 $0x204, s9  }
0xbb: {  	s19 =	sand.u32 $0x78, s15;
	s10 =	sand.u32 $0x78, s10;
	s11 =	smul.u32 $0x204, s11  }
0xbc: {  	s9 =	sadd.s32 s13, s7;
	s13 =	sand.u32 $0x78, s17;
	s10 =	smul.u32 $0x204, s10  }
0xbd: {  	s12 =	sshrl.u32 s12, $0x2;
	s13 =	smul.u32 $0x204, s13;
	v0 =	vmov s9;
	s9 =	sand.u32 $0x3C00, s5  }
0xbe: {  	s12 =	sadd.s32 s12, s3;
	s14 =	sshrl.u32 s14, $0x2;
	s11 =	sshrl.u32 s11, $0x2  }
0xbf: {  	s10 =	sshrl.u32 s10, $0x2;
	s14 =	sadd.s32 s14, s3;
	s21 =	sadd.s32 s24, s12  }
0xc0: {  	s13 =	sshrl.u32 s13, $0x2;
	s12 =	smul.u32 $0x204, s19;
	s11 =	sadd.s32 s11, s3  }
0xc1: {  	s19 =	sadd.s32 $0x20, s8;
	s10 =	sadd.s32 s10, s3;
	s13 =	sadd.s32 s13, s3  }
0xc2: {  	s23 =	sadd.s32 s24, s13;
	s12 =	sshrl.u32 s12, $0x2;
	s13 =	sand.u32 $0x78, s25  }
0xc3: {  	s22 =	sadd.s32 s24, s14;
	s12 =	sadd.s32 s12, s3;
	s13 =	smul.u32 $0x204, s13  }
0xc4: {  	s17 =	sadd.s32 s24, s11;
	s18 =	sadd.s32 s24, s12;
	s12 =	sshrl.u32 s26, $0x7  }
0xc5: {  	s25 =	sadd.s32 $0x50, s8;
	s14 =	sshrl.u32 s13, $0x2;
	s11 =	sand.u32 $0x78, s12  }
0xc6: {  	s12 =	sadd.s32 s14, s3;
	s15 =	smul.u32 $0x204, s11;
	s14 =	sand.u32 $0x78, s19  }
0xc7: {  	s19 =	sadd.s32 s24, s10;
	s11 =	sadd.s32 s24, s12;
	s12 =	sand.u32 $0x78, s16  }
0xc8: {  	s14 =	smul.u32 $0x204, s14;
	s16 =	sadd.s32 $0x60, s8;
	s8 =	sadd.s32 $0x70, s8  }
0xc9: {  	s13 =	sshrl.u32 s15, $0x2;
	s12 =	smul.u32 $0x204, s12;
	s15 =	sand.u32 $0x78, s25  }
0xca: {  	s26 =	sand.u32 $0x78, s16;
	s8 =	sand.u32 $0x78, s8;
	s25 =	smul.u32 $0x204, s15  }
0xcb: {  	s14 =	sshrl.u32 s14, $0x2;
	s16 =	smul.u32 $0x204, s26;
	s12 =	sshrl.u32 s12, $0x2  }
0xcc: {  	v1 =	vld.idx.msk [tilespmem:v0+s9+$0x0 ss:$0x1], $0xffff;
	s8 =	smul.u32 $0x204, s8;
	s14 =	sadd.s32 s14, s3;
	s10 =	sadd.s32 s12, s3  }
0xcd: {  	s12 =	sand.u32 $0x78, s20;
	s20 =	sadd.s32 s24, s14;
	s14 =	sshrl.u32 s25, $0x2  }
0xce: {  	s25 =	sshrl.u32 s16, $0x2;
	s8 =	sshrl.u32 s8, $0x2;
	s15 =	sadd.s32 s24, s10  }
0xcf: {  	s10 =	sadd.s32 s14, s3;
	s14 =	sadd.s32 s25, s3;
	s26 =	sadd.s32 s8, s3  }
0xd0: {  	s8 =	sadd.s32 s24, s14;
	s14 =	sadd.s32 s24, s26;
	s26 =	sadd.s32 $0xFFFFFC00, s5  }
0xd1: {  	[tilespmem:s21+$0x0 ss:$0x81] =	vst.msk $0xffff, v1;
	v1 =	vld.idx.msk [tilespmem:v0+s9+$0x20 ss:$0x1], $0xffff;
	s16 =	sadd.s32 s24, s10;
	s10 =	sand.u32 $0x3C00, s26  }
0xd2: {  	v2 =	vld.idx.msk [tilespmem:v0+s10+$0x70 ss:$0x1], $0xffff  }
0xd3: {  	v3 =	vld.idx.msk [tilespmem:v0+s10+$0x0 ss:$0x1], $0xffff  }
0xd4: {  	v4 =	vld.idx.msk [tilespmem:v0+s10+$0x10 ss:$0x1], $0xffff  }
0xd5: {  	v5 =	vld.idx.msk [tilespmem:v0+s10+$0x20 ss:$0x1], $0xffff  }
0xd6: {  	v6 =	vld.idx.msk [tilespmem:v0+s10+$0x30 ss:$0x1], $0xffff  }
0xd7: {  	v7 =	vld.idx.msk [tilespmem:v0+s10+$0x40 ss:$0x1], $0xffff;
	[tilespmem:s19+$0x0 ss:$0x81] =	vst.msk $0xffff, v2  }
0xd8: {  	v8 =	vld.idx.msk [tilespmem:v0+s10+$0x50 ss:$0x1], $0xffff;
	[tilespmem:s21+$0x0 ss:$0x81] =	vst.msk $0xffff, v3  }
0xd9: {  	p2 =	sgt.s32 s29, $0x100;
	s12 =	smul.u32 $0x204, s12;
	v9 =	vld.idx.msk [tilespmem:v0+s10+$0x60 ss:$0x1], $0xffff;
	[tilespmem:s22+$0x0 ss:$0x81] =	vst.msk $0xffff, v4  }
.Ltmp12:
0xda: {  	v4 =	vld.idx.msk [tilespmem:v0+s9+$0x10 ss:$0x1], $0xffff;
	[tilespmem:s23+$0x0 ss:$0x81] =	vst.msk $0xffff, v5;
	(pc) =	sbr.rel @!p2 .LBB1_11-.Ltmp12, $4  }
0xdb: {  	[tilespmem:s18+$0x0 ss:$0x81] =	vst.msk $0xffff, v6;
	v2 =	vld.idx.msk [tilespmem:v0+s9+$0x30 ss:$0x1], $0xffff  }
0xdc: {  	s13 =	sadd.s32 s13, s3;
	s12 =	sshrl.u32 s12, $0x2;
	[tilespmem:s17+$0x0 ss:$0x81] =	vst.msk $0xffff, v7;
	v3 =	vld.idx.msk [tilespmem:v0+s9+$0x40 ss:$0x1], $0xffff  }
0xdd: {  	s13 =	sadd.s32 s24, s13;
	s12 =	sadd.s32 s12, s3;
	[tilespmem:s11+$0x0 ss:$0x81] =	vst.msk $0xffff, v8;
	v5 =	vld.idx.msk [tilespmem:v0+s9+$0x50 ss:$0x1], $0xffff  }
0xde: {  	s25 =	sadd.s32 $0x800, s5;
	s10 =	simm.s32 $0x100;
	s12 =	sadd.s32 s24, s12;
	[tilespmem:s13+$0x0 ss:$0x81] =	vst.msk $0xffff, v9;
	v6 =	vld.idx.msk [tilespmem:v0+s9+$0x60 ss:$0x1], $0xffff  }
.LBB1_10:
0xdf: {  	s26 =	sadd.s32 $0xFFFFFC00, s25;
	s10 =	sadd.s32 $0x100, s10;
	[tilespmem:s15+$0x0 ss:$0x81] =	vst.msk $0xffff, v4;
	v4 =	vld.idx.msk [tilespmem:v0+s9+$0x70 ss:$0x1], $0xffff;
	s9 =	sand.u32 $0x3C00, s25  }
0xe0: {  	s26 =	sand.u32 $0x3C00, s26;
	v7 =	vld.idx.msk [tilespmem:v0+s9+$0x0 ss:$0x1], $0xffff;
	p2 =	slt.s32 s10, s29;
	[tilespmem:s20+$0x0 ss:$0x81] =	vst.msk $0xffff, v1  }
0xe1: {  	v1 =	vld.idx.msk [tilespmem:v0+s26+$0x70 ss:$0x1], $0xffff;
	[tilespmem:s12+$0x0 ss:$0x81] =	vst.msk $0xffff, v2  }
0xe2: {  	v2 =	vld.idx.msk [tilespmem:v0+s26+$0x0 ss:$0x1], $0xffff;
	[tilespmem:s17+$0x0 ss:$0x81] =	vst.msk $0xffff, v3  }
0xe3: {  	v3 =	vld.idx.msk [tilespmem:v0+s26+$0x10 ss:$0x1], $0xffff;
	[tilespmem:s16+$0x0 ss:$0x81] =	vst.msk $0xffff, v5  }
0xe4: {  	v5 =	vld.idx.msk [tilespmem:v0+s26+$0x20 ss:$0x1], $0xffff;
	[tilespmem:s8+$0x0 ss:$0x81] =	vst.msk $0xffff, v6  }
0xe5: {  	v6 =	vld.idx.msk [tilespmem:v0+s26+$0x30 ss:$0x1], $0xffff;
	[tilespmem:s14+$0x0 ss:$0x81] =	vst.msk $0xffff, v4  }
0xe6: {  	v8 =	vld.idx.msk [tilespmem:v0+s26+$0x40 ss:$0x1], $0xffff;
	[tilespmem:s21+$0x0 ss:$0x81] =	vst.msk $0xffff, v7  }
0xe7: {  	v7 =	vld.idx.msk [tilespmem:v0+s26+$0x50 ss:$0x1], $0xffff;
	[tilespmem:s19+$0x0 ss:$0x81] =	vst.msk $0xffff, v1  }
0xe8: {  	[tilespmem:s21+$0x0 ss:$0x81] =	vst.msk $0xffff, v2;
	v9 =	vld.idx.msk [tilespmem:v0+s26+$0x60 ss:$0x1], $0xffff  }
0xe9: {  	[tilespmem:s22+$0x0 ss:$0x81] =	vst.msk $0xffff, v3;
	v4 =	vld.idx.msk [tilespmem:v0+s9+$0x10 ss:$0x1], $0xffff  }
.Ltmp13:
0xea: {  	[tilespmem:s23+$0x0 ss:$0x81] =	vst.msk $0xffff, v5;
	v1 =	vld.idx.msk [tilespmem:v0+s9+$0x20 ss:$0x1], $0xffff;
	(pc) =	sbr.rel @p2 .LBB1_10-.Ltmp13, $4  }
0xeb: {  	[tilespmem:s18+$0x0 ss:$0x81] =	vst.msk $0xffff, v6;
	v2 =	vld.idx.msk [tilespmem:v0+s9+$0x30 ss:$0x1], $0xffff  }
0xec: {  	[tilespmem:s17+$0x0 ss:$0x81] =	vst.msk $0xffff, v8;
	v3 =	vld.idx.msk [tilespmem:v0+s9+$0x40 ss:$0x1], $0xffff  }
0xed: {  	[tilespmem:s11+$0x0 ss:$0x81] =	vst.msk $0xffff, v7;
	v5 =	vld.idx.msk [tilespmem:v0+s9+$0x50 ss:$0x1], $0xffff  }
0xee: {  	s25 =	sadd.s32 $0x800, s25;
	[tilespmem:s13+$0x0 ss:$0x81] =	vst.msk $0xffff, v9;
	v6 =	vld.idx.msk [tilespmem:v0+s9+$0x60 ss:$0x1], $0xffff  }
.LBB1_11:
0xef: {  	_ =	sdelay $0x2  }
0xf0: {  	[tilespmem:s15+$0x0 ss:$0x81] =	vst.msk $0xffff, v4  }
0xf1: {  	v0 =	vld.idx.msk [tilespmem:v0+s9+$0x70 ss:$0x1], $0xffff;
	[tilespmem:s20+$0x0 ss:$0x81] =	vst.msk $0xffff, v1  }
0xf2: {  	[tilespmem:s12+$0x0 ss:$0x81] =	vst.msk $0xffff, v2  }
0xf3: {  	[tilespmem:s17+$0x0 ss:$0x81] =	vst.msk $0xffff, v3  }
0xf4: {  	[tilespmem:s16+$0x0 ss:$0x81] =	vst.msk $0xffff, v5  }
0xf5: {  	[tilespmem:s8+$0x0 ss:$0x81] =	vst.msk $0xffff, v6  }
0xf6: {  	[tilespmem:s14+$0x0 ss:$0x81] =	vst.msk $0xffff, v0  }
.LBB1_12:
.Ltmp14:
0xf7: {  	(pc) =	sbr.rel @p1 .LBB1_15-.Ltmp14, $1  }
0xf8: {  	_ =	sdelay $0x3  }
0xf9: {  	s9 =	sand.u32 $0x380, s6;
	s8 =	sshrl.u32 s4, $0x4;
	s10 =	sadd.s32 s24, s3  }
0xfa: {  	s11 =	smov.u32 s0;
	s12 =	smov.u32 s29;
	s9 =	sadd.s32 s9, s7  }
.LBB1_14:
0xfb: {  	s13 =	sand.u32 $0x3C00, s11  }
0xfc: {  	s13 =	sadd.s32 s6, s13  }
0xfd: {  	s13 =	sand.u32 $0x3C00, s13  }
0xfe: {  	s14 =	sand.u32 $0x70, s12;
	s25 =	sadd.s32 s12, s8;
	s13 =	sadd.s32 s13, s9  }
0xff: {  	s12 =	sadd.s32 $0x10, s12;
	s26 =	sand.u32 $0x78, s25;
	s13 =	sadd.s32 s14, s13  }
0x100: {  	p2 =	slt.s32 s12, s28;
	v0 =	vld [tilespmem:s13+$0x0];
	s13 =	smul.u32 $0x204, s26  }
.Ltmp15:
0x101: {  	_ = 	snop;
	(pc) =	sbr.rel @p2 .LBB1_14-.Ltmp15, $4  }
0x102: {  	_ = 	snop  }
0x103: {  	s13 =	sshrl.u32 s13, $0x2  }
0x104: {  	s13 =	sadd.s32 s13, s10  }
0x105: {  	s11 =	sadd.s32 $0x80, s11;
	[tilespmem:s13+$0x0 ss:$0x81] =	vst.msk $0xffff, v0  }
.Ltmp16:
0x106: {  	_ = 	snop;
	(pc) =	sbr.rel .LBB1_15-.Ltmp16, $1  }
0x107: {  	_ =	sdelay $0x3  }
.LBB1_20:
0x108: {  	_ =	sfence.sel $0x180000  }
0x109: {  	s0 =	simm.s32 $0x1;
	[bflag:$0x0] =	sbarrier.arrive $0xFFFF  }
0x10a: {  	s30 =	simm.s32 $0x2;
	[sflag:s0] =	ssyncpa.u1 $0x1  }
0x10b: {  	[sflag:s30] =	ssyncpa.u1 $0x1  }
0x10c: {  	_ =	strace $0x90000050  }
0x10d: {  	s31 =	stileid.u32;
	[bflag:$0x2] =	sbarrier.arrive $0xFFFF  }
0x10e: {  	p0 =	sne.s32 s31, $0x0;
	s0 =	rddreg [dreg:$0x2]  }
0x10f: {  	s0 =	sadd.s32 @!p0 $0x100000, s0  }
0x110: {  	[sflag:s0] =	ssyncadd.tile.s32 @!p0 $0x1;
	_ =	shalt  }
.Lfunc_end1:
_tile_overlayer_lowered:
.L_overlay_start_2:
0x111: {  	(tag) =	ssettag $0x2  }
0x112: {  	s0 =	rddreg [dreg:$0x0];
	s2 =	stileid.u32  }
0x113: {  	s1 =	rddreg [dreg:$0x1];
	p0 =	sne.s32 s2, $0x0  }
0x114: {  	s3 =	rddreg [dreg:$0x2];
	[bflag:$0x3] =	sbarrier.arrive $0xFFFF;
	s2 =	simm.s32 @!p0 $0x1C01  }
0x115: {  	[timem:s3], [sflag:s2] =	dma.local @!p0 [hbm:s0], s1  }
0x116: {  	s0 =	simm.s32 @!p0 $0x1  }
0x117: {  	_ =	swait.ge @!p0 [sflag:s0], s1  }
0x118: {  	s1 =	ssub.s32 @!p0 $0x0, s1;
	[sflag:s0] =	ssyncset.done @!p0 $0x0  }
0x119: {  	[sflag:s0] =	ssyncadd.s32 @!p0 s1  }
0x11a: {  	[bflag:$0x3] =	sbarrier.arrive $0xFFFF  }
0x11b: {  	_ =	shalt  }

</sc_bundles>
